<compile_context>
chip_gen: v7x
topology: tpu7x:2x2x1
jax: 0.10.2.dev20260603
libtpu: 0.0.44.dev20260713+nightly
codegen_flags: <defaults>
</compile_context>

<pallas_src>
import functools

import jax
import jax.numpy as jnp
from jax import lax
from jax.experimental import pallas as pl
from jax.experimental.pallas import tpu as pltpu
from jax.experimental.pallas import tpu_sc as plsc

NNODE = 10000
NEDGE = 320000
DIM = 128
NGRAPH = 64
NCLS = 2

NCORE = 2
NSUB = 16
NWORK = NCORE * NSUB
BLK = 64
ETOT = NEDGE
CHKB = 16
NBLK = -(-(-(-ETOT // (NWORK * BLK))) // CHKB) * CHKB
NCHK = NBLK // CHKB
EPAD = NWORK * NBLK * BLK
NPAD = 10112
ROWS_PER_TILE = NPAD // NSUB
DEGW = 16
DEPTH = 4
AHEAD = 2

_mesh = plsc.VectorSubcoreMesh(core_axis_name="c", subcore_axis_name="s")



@functools.partial(
    pl.kernel,
    out_type=jax.ShapeDtypeStruct((NCORE, NPAD, DEGW), jnp.float32),
    mesh=_mesh,
    scratch_types=[
        pltpu.VMEM((CHKB, BLK), jnp.int32),
        pltpu.VMEM((BLK, DEGW), jnp.float32),
        pltpu.VMEM((8, DEGW), jnp.float32),
        pltpu.VMEM_SHARED((NPAD, DEGW), jnp.float32),
    ],
)
def _sc_degree(dst_hbm, out_hbm, didx, ones_buf, zbuf, accum):
    cid = lax.axis_index("c")
    sid = lax.axis_index("s")
    wid = cid * NSUB + sid

    @pl.loop(0, BLK)
    def _(i):
        ones_buf[i, pl.ds(0, DEGW)] = jnp.ones((DEGW,), jnp.float32)

    @pl.loop(0, 8)
    def _(i):
        zbuf[i, pl.ds(0, DEGW)] = jnp.zeros((DEGW,), jnp.float32)

    base = sid * ROWS_PER_TILE

    @pl.loop(0, ROWS_PER_TILE // 8)
    def _(r):
        pltpu.sync_copy(zbuf, accum.at[pl.ds(base + r * 8, 8)])

    plsc.subcore_barrier()

    @pl.loop(0, NCHK)
    def _(c):
        pltpu.sync_copy(dst_hbm.at[wid, pl.ds(c * CHKB, CHKB)], didx)

        @pl.loop(0, CHKB)
        def _(j):
            pltpu.sync_copy(ones_buf, accum.at[didx.at[j]], add=True)

    plsc.subcore_barrier()
    pltpu.sync_copy(accum.at[pl.ds(base, ROWS_PER_TILE)],
                    out_hbm.at[cid, pl.ds(base, ROWS_PER_TILE)])


@functools.partial(
    pl.kernel,
    out_type=jax.ShapeDtypeStruct((NCORE, NPAD, DIM), jnp.float32),
    mesh=_mesh,
    scratch_types=[
        pltpu.VMEM((CHKB, BLK), jnp.int32),
        pltpu.VMEM((CHKB, BLK), jnp.int32),
        pltpu.VMEM((CHKB, BLK), jnp.int32),
        pltpu.VMEM((CHKB, BLK), jnp.int32),
        pltpu.VMEM((BLK, DIM), jnp.float32),
        pltpu.VMEM((BLK, DIM), jnp.float32),
        pltpu.VMEM((BLK, DIM), jnp.float32),
        pltpu.VMEM((BLK, DIM), jnp.float32),
        pltpu.VMEM_SHARED((NPAD, DIM), jnp.float32),
        pltpu.SemaphoreType.DMA,
        pltpu.SemaphoreType.DMA,
        pltpu.SemaphoreType.DMA,
        pltpu.SemaphoreType.DMA,
        pltpu.SemaphoreType.DMA,
        pltpu.SemaphoreType.DMA,
        pltpu.SemaphoreType.DMA,
        pltpu.SemaphoreType.DMA,
        pltpu.SemaphoreType.DMA,
        pltpu.SemaphoreType.DMA,
    ],
)
def _sc_propagate(z_hbm, src_hbm, dst_hbm, out_hbm,
                  sidxA, didxA, sidxB, didxB,
                  buf0, buf1, buf2, buf3, accum,
                  gs0, gs1, gs2, gs3, ss0, ss1, ss2, ss3, is0, is1):
    cid = lax.axis_index("c")
    sid = lax.axis_index("s")
    wid = cid * NSUB + sid
    bufs = (buf0, buf1, buf2, buf3)
    gsem = (gs0, gs1, gs2, gs3)
    ssem = (ss0, ss1, ss2, ss3)

    @pl.loop(0, 8)
    def _(i):
        for k in range(DIM // 16):
            buf0[i, pl.ds(k * 16, 16)] = jnp.zeros((16,), jnp.float32)

    base = sid * ROWS_PER_TILE

    @pl.loop(0, ROWS_PER_TILE // 8)
    def _(r):
        pltpu.sync_copy(buf0.at[pl.ds(0, 8)], accum.at[pl.ds(base + r * 8, 8)])

    plsc.subcore_barrier()

    @pl.loop(0, NCHK)
    def _(c):
        pltpu.sync_copy(src_hbm.at[wid, pl.ds(c * CHKB, CHKB)], sidxA)
        pltpu.sync_copy(dst_hbm.at[wid, pl.ds(c * CHKB, CHKB)], didxA)

        @pl.loop(0, CHKB)
        def _(j):
            pltpu.sync_copy(z_hbm.at[sidxA.at[j]], buf0)
            pltpu.sync_copy(buf0, accum.at[didxA.at[j]], add=True)

    plsc.subcore_barrier()
    pltpu.sync_copy(accum.at[pl.ds(base, ROWS_PER_TILE)],
                    out_hbm.at[cid, pl.ds(base, ROWS_PER_TILE)])



def _tc_first_body(x_ref, w_ref, degp_ref, z_ref, dinv_ref):
    degp = degp_ref[...]
    deg = degp[0, :NNODE, 0:1] + degp[1, :NNODE, 0:1] + 1.0
    dinv = lax.rsqrt(deg)
    z = jnp.dot(x_ref[...], w_ref[...], preferred_element_type=jnp.float32)
    z_ref[...] = z * dinv
    dinv_ref[...] = dinv


def _tc_mid_body(sp_ref, z_in_ref, dinv_ref, b_ref, w_ref, z_ref):
    s = sp_ref[0, :NNODE, :] + sp_ref[1, :NNODE, :] + z_in_ref[...]
    dinv = dinv_ref[...]
    h = jnp.maximum(s * dinv + b_ref[...], 0.0)
    z = jnp.dot(h, w_ref[...], preferred_element_type=jnp.float32)
    z_ref[...] = z * dinv


def _tc_final_body(sp_ref, z_in_ref, dinv_ref, b_ref, batch_ref, wl_ref,
                   bl_ref, o_ref):
    s = sp_ref[0, :NNODE, :] + sp_ref[1, :NNODE, :] + z_in_ref[...]
    h = jnp.maximum(s * dinv_ref[...] + b_ref[...], 0.0)
    gi = lax.broadcasted_iota(jnp.int32, (NGRAPH, NNODE), 0)
    m = (batch_ref[...] == gi).astype(jnp.float32)
    psum = jnp.dot(m, h, preferred_element_type=jnp.float32)
    cnt = jnp.dot(m, jnp.ones((NNODE, 1), jnp.float32),
                  preferred_element_type=jnp.float32)
    pooled = psum / jnp.maximum(cnt, 1.0)
    o_ref[...] = jnp.dot(pooled, wl_ref[...],
                         preferred_element_type=jnp.float32) + bl_ref[...]


_tc_first = pl.pallas_call(
    _tc_first_body,
    out_shape=[jax.ShapeDtypeStruct((NNODE, DIM), jnp.float32),
               jax.ShapeDtypeStruct((NNODE, 1), jnp.float32)],
)

_tc_mid = pl.pallas_call(
    _tc_mid_body,
    out_shape=jax.ShapeDtypeStruct((NNODE, DIM), jnp.float32),
)

_tc_final = pl.pallas_call(
    _tc_final_body,
    out_shape=jax.ShapeDtypeStruct((NGRAPH, NCLS), jnp.float32),
)



def kernel(x, edge_index, batch, W1, b1, W2, b2, W3, b3, Wl, bl):
    pad = EPAD - ETOT
    pad_src = (jnp.arange(pad, dtype=jnp.int32) * 97) % NNODE
    pad_dst = NNODE + (jnp.arange(pad, dtype=jnp.int32) % (NPAD - NNODE))
    src = jnp.concatenate([edge_index[0], pad_src])
    dst = jnp.concatenate([edge_index[1], pad_dst])
    src_t = src.reshape(NWORK, NBLK, BLK)
    dst_t = dst.reshape(NWORK, NBLK, BLK)

    deg_parts = _sc_degree(dst_t)
    z, dinv = _tc_first(x, W1, deg_parts)
    s1 = _sc_propagate(z, src_t, dst_t)
    z = _tc_mid(s1, z, dinv, b1.reshape(1, DIM), W2)
    s2 = _sc_propagate(z, src_t, dst_t)
    z = _tc_mid(s2, z, dinv, b2.reshape(1, DIM), W3)
    s3 = _sc_propagate(z, src_t, dst_t)
    return _tc_final(s3, z, dinv, b3.reshape(1, DIM), batch.reshape(1, NNODE),
                     Wl, bl.reshape(1, NCLS))

# --- scband reference (transcript-rebuilt; emitter-appended) ---
"""Pipeline reference for scband-gcn-classification-87771951661435 (READ-ONLY COPY).

The authoritative reference and input builder live on the scoring server;
editing this copy changes nothing except your own understanding.
"""

import jax, jax.numpy as jnp
import numpy as np

N = 10000
E = 320000
D = 128
G = 64
NC = 2


def setup_inputs(seed: int = 0):
    key = jax.random.key(seed)
    ks = jax.random.split(key, 12)
    x = jax.random.normal(ks[0], (N, D), dtype=jnp.float32)
    edge_index = jax.random.randint(ks[1], (2, E), 0, N, dtype=jnp.int32)
    batch = jnp.sort(jax.random.randint(ks[2], (N,), 0, G, dtype=jnp.int32))
    s = 1.0 / np.sqrt(D)
    W1 = jax.random.normal(ks[3], (D, D), dtype=jnp.float32) * s
    b1 = jnp.zeros((D,), jnp.float32)
    W2 = jax.random.normal(ks[4], (D, D), dtype=jnp.float32) * s
    b2 = jnp.zeros((D,), jnp.float32)
    W3 = jax.random.normal(ks[5], (D, D), dtype=jnp.float32) * s
    b3 = jnp.zeros((D,), jnp.float32)
    Wl = jax.random.normal(ks[6], (D, NC), dtype=jnp.float32) * s
    bl = jnp.zeros((NC,), jnp.float32)
    return {"x": x, "edge_index": edge_index, "batch": batch,
            "W1": W1, "b1": b1, "W2": W2, "b2": b2,
            "W3": W3, "b3": b3, "Wl": Wl, "bl": bl}


def _gcn_layer(x, src, dst, W, b):
    # GCNConv: x' = D^{-1/2} (A + I) D^{-1/2} X W + b (self-loops added by caller)
    h = x @ W
    ones = jnp.ones((src.shape[0],), x.dtype)
    deg = jax.ops.segment_sum(ones, dst, num_segments=N)
    dinv = jnp.where(deg > 0, jax.lax.rsqrt(deg), 0.0)
    coef = dinv[src] * dinv[dst]
    msg = h[src] * coef[:, None]
    agg = jax.ops.segment_sum(msg, dst, num_segments=N)
    return agg + b


def reference(x, edge_index, batch, W1, b1, W2, b2, W3, b3, Wl, bl):
    loop = jnp.arange(N, dtype=edge_index.dtype)
    src = jnp.concatenate([edge_index[0], loop])
    dst = jnp.concatenate([edge_index[1], loop])
    h = jax.nn.relu(_gcn_layer(x, src, dst, W1, b1))
    h = jax.nn.relu(_gcn_layer(h, src, dst, W2, b2))
    h = jax.nn.relu(_gcn_layer(h, src, dst, W3, b3))
    # global_mean_pool over graph ids
    sums = jax.ops.segment_sum(h, batch, num_segments=G)
    cnt = jax.ops.segment_sum(jnp.ones((N,), h.dtype), batch, num_segments=G)
    pooled = sums / jnp.maximum(cnt, 1.0)[:, None]
    # dropout is identity in eval mode (training=False)
    return pooled @ Wl + bl

if __name__ == "__main__":
    import jax
    _d = setup_inputs()
    print(jax.jit(kernel)(*tuple(_d.values())))

</pallas_src>

<mosaic_0001>
#map = affine_map<(d0, d1) -> (0, 0)>
#map1 = affine_map<(d0, d1) -> (0, 0, 0)>
module attributes {stable_mosaic.version = 14 : i64} {
  func.func @_sc_propagate(%arg0: i32, %arg1: i32, %arg2: memref<10000x128xf32, #tpu.memory_space<hbm>>, %arg3: memref<32x160x64xi32, #tpu.memory_space<hbm>>, %arg4: memref<32x160x64xi32, #tpu.memory_space<hbm>>, %arg5: memref<2x10112x128xf32, #tpu.memory_space<hbm>>, %arg6: memref<16x64xi32, #tpu.memory_space<vmem>>, %arg7: memref<16x64xi32, #tpu.memory_space<vmem>>, %arg8: memref<16x64xi32, #tpu.memory_space<vmem>>, %arg9: memref<16x64xi32, #tpu.memory_space<vmem>>, %arg10: memref<64x128xf32, #tpu.memory_space<vmem>>, %arg11: memref<64x128xf32, #tpu.memory_space<vmem>>, %arg12: memref<64x128xf32, #tpu.memory_space<vmem>>, %arg13: memref<64x128xf32, #tpu.memory_space<vmem>>, %arg14: memref<10112x128xf32, #tpu.memory_space<vmem_shared>>, %arg15: memref<!tpu.dma_semaphore, #tpu.memory_space<semaphore_mem>>, %arg16: memref<!tpu.dma_semaphore, #tpu.memory_space<semaphore_mem>>, %arg17: memref<!tpu.dma_semaphore, #tpu.memory_space<semaphore_mem>>, %arg18: memref<!tpu.dma_semaphore, #tpu.memory_space<semaphore_mem>>, %arg19: memref<!tpu.dma_semaphore, #tpu.memory_space<semaphore_mem>>, %arg20: memref<!tpu.dma_semaphore, #tpu.memory_space<semaphore_mem>>, %arg21: memref<!tpu.dma_semaphore, #tpu.memory_space<semaphore_mem>>, %arg22: memref<!tpu.dma_semaphore, #tpu.memory_space<semaphore_mem>>, %arg23: memref<!tpu.dma_semaphore, #tpu.memory_space<semaphore_mem>>, %arg24: memref<!tpu.dma_semaphore, #tpu.memory_space<semaphore_mem>>) attributes {dimension_semantics = [#tpu.dimension_semantics<core_parallel>, #tpu.dimension_semantics<subcore_parallel>], iteration_bounds = array<i64: 2, 16>, scalar_prefetch = 0 : i64, scratch_operands = 19 : i64, tpu.core_type = #tpu.core_type<sc_vector_subcore>, window_params = [{transform_indices = #map}, {transform_indices = #map1}, {transform_indices = #map1}, {transform_indices = #map1}]} {
    %mul3A = arith.constant 16 : i32
    %mul3A_0 = arith.muli %arg0, %mul3A : i32
    %add3A = arith.addi %mul3A_0, %arg1 : i32
    %scan3A = arith.constant 0 : i32
    %scan3A_1 = arith.constant 8 : i32
    %scan3A_2 = arith.addi %scan3A, %scan3A_1 : i32
    %scan3A_3 = arith.constant 1 : i32
    scf.for %scan3A_18 = %scan3A to %scan3A_2 step %scan3A_3  : i32 {
      %mul3A_19 = arith.constant 1 : i32
      %mul3A_20 = arith.muli %scan3A_18, %mul3A_19 : i32
      %add3A_21 = arith.constant 0 : i32
      %add3A_22 = arith.addi %add3A_21, %mul3A_20 : i32
      %broadcast_in_dim3A = arith.constant 0.000000e+00 : f32
      %broadcast_in_dim3A_23 = vector.broadcast %broadcast_in_dim3A : f32 to vector<16xf32>
      %swap3A = arith.index_cast %add3A_22 : i32 to index
      %swap3A_24 = arith.constant 0 : index
      %swap3A_25 = tpu.vector_load %arg10[%swap3A, %swap3A_24] {strides = array<i32>} : memref<64x128xf32, #tpu.memory_space<vmem>>, vector<1x16xf32>,
      %swap3A_26 = vector.shape_cast %swap3A_25 : vector<1x16xf32> to vector<16xf32>
      %swap3A_27 = vector.shape_cast %broadcast_in_dim3A_23 : vector<16xf32> to vector<1x16xf32>
      tpu.vector_store %arg10[%swap3A, %swap3A_24], %swap3A_27 {strides = array<i32>} : memref<64x128xf32, #tpu.memory_space<vmem>>, vector<1x16xf32>,
      %broadcast_in_dim3A_28 = arith.constant 0.000000e+00 : f32
      %broadcast_in_dim3A_29 = vector.broadcast %broadcast_in_dim3A_28 : f32 to vector<16xf32>
      %swap3A_30 = arith.index_cast %add3A_22 : i32 to index
      %swap3A_31 = arith.constant 16 : index
      %swap3A_32 = tpu.vector_load %arg10[%swap3A_30, %swap3A_31] {strides = array<i32>} : memref<64x128xf32, #tpu.memory_space<vmem>>, vector<1x16xf32>,
      %swap3A_33 = vector.shape_cast %swap3A_32 : vector<1x16xf32> to vector<16xf32>
      %swap3A_34 = vector.shape_cast %broadcast_in_dim3A_29 : vector<16xf32> to vector<1x16xf32>
      tpu.vector_store %arg10[%swap3A_30, %swap3A_31], %swap3A_34 {strides = array<i32>} : memref<64x128xf32, #tpu.memory_space<vmem>>, vector<1x16xf32>,
      %broadcast_in_dim3A_35 = arith.constant 0.000000e+00 : f32
      %broadcast_in_dim3A_36 = vector.broadcast %broadcast_in_dim3A_35 : f32 to vector<16xf32>
      %swap3A_37 = arith.index_cast %add3A_22 : i32 to index
      %swap3A_38 = arith.constant 32 : index
      %swap3A_39 = tpu.vector_load %arg10[%swap3A_37, %swap3A_38] {strides = array<i32>} : memref<64x128xf32, #tpu.memory_space<vmem>>, vector<1x16xf32>,
      %swap3A_40 = vector.shape_cast %swap3A_39 : vector<1x16xf32> to vector<16xf32>
      %swap3A_41 = vector.shape_cast %broadcast_in_dim3A_36 : vector<16xf32> to vector<1x16xf32>
      tpu.vector_store %arg10[%swap3A_37, %swap3A_38], %swap3A_41 {strides = array<i32>} : memref<64x128xf32, #tpu.memory_space<vmem>>, vector<1x16xf32>,
      %broadcast_in_dim3A_42 = arith.constant 0.000000e+00 : f32
      %broadcast_in_dim3A_43 = vector.broadcast %broadcast_in_dim3A_42 : f32 to vector<16xf32>
      %swap3A_44 = arith.index_cast %add3A_22 : i32 to index
      %swap3A_45 = arith.constant 48 : index
      %swap3A_46 = tpu.vector_load %arg10[%swap3A_44, %swap3A_45] {strides = array<i32>} : memref<64x128xf32, #tpu.memory_space<vmem>>, vector<1x16xf32>,
      %swap3A_47 = vector.shape_cast %swap3A_46 : vector<1x16xf32> to vector<16xf32>
      %swap3A_48 = vector.shape_cast %broadcast_in_dim3A_43 : vector<16xf32> to vector<1x16xf32>
      tpu.vector_store %arg10[%swap3A_44, %swap3A_45], %swap3A_48 {strides = array<i32>} : memref<64x128xf32, #tpu.memory_space<vmem>>, vector<1x16xf32>,
      %broadcast_in_dim3A_49 = arith.constant 0.000000e+00 : f32
      %broadcast_in_dim3A_50 = vector.broadcast %broadcast_in_dim3A_49 : f32 to vector<16xf32>
      %swap3A_51 = arith.index_cast %add3A_22 : i32 to index
      %swap3A_52 = arith.constant 64 : index
      %swap3A_53 = tpu.vector_load %arg10[%swap3A_51, %swap3A_52] {strides = array<i32>} : memref<64x128xf32, #tpu.memory_space<vmem>>, vector<1x16xf32>,
      %swap3A_54 = vector.shape_cast %swap3A_53 : vector<1x16xf32> to vector<16xf32>
      %swap3A_55 = vector.shape_cast %broadcast_in_dim3A_50 : vector<16xf32> to vector<1x16xf32>
      tpu.vector_store %arg10[%swap3A_51, %swap3A_52], %swap3A_55 {strides = array<i32>} : memref<64x128xf32, #tpu.memory_space<vmem>>, vector<1x16xf32>,
      %broadcast_in_dim3A_56 = arith.constant 0.000000e+00 : f32
      %broadcast_in_dim3A_57 = vector.broadcast %broadcast_in_dim3A_56 : f32 to vector<16xf32>
      %swap3A_58 = arith.index_cast %add3A_22 : i32 to index
      %swap3A_59 = arith.constant 80 : index
      %swap3A_60 = tpu.vector_load %arg10[%swap3A_58, %swap3A_59] {strides = array<i32>} : memref<64x128xf32, #tpu.memory_space<vmem>>, vector<1x16xf32>,
      %swap3A_61 = vector.shape_cast %swap3A_60 : vector<1x16xf32> to vector<16xf32>
      %swap3A_62 = vector.shape_cast %broadcast_in_dim3A_57 : vector<16xf32> to vector<1x16xf32>
      tpu.vector_store %arg10[%swap3A_58, %swap3A_59], %swap3A_62 {strides = array<i32>} : memref<64x128xf32, #tpu.memory_space<vmem>>, vector<1x16xf32>,
      %broadcast_in_dim3A_63 = arith.constant 0.000000e+00 : f32
      %broadcast_in_dim3A_64 = vector.broadcast %broadcast_in_dim3A_63 : f32 to vector<16xf32>
      %swap3A_65 = arith.index_cast %add3A_22 : i32 to index
      %swap3A_66 = arith.constant 96 : index
      %swap3A_67 = tpu.vector_load %arg10[%swap3A_65, %swap3A_66] {strides = array<i32>} : memref<64x128xf32, #tpu.memory_space<vmem>>, vector<1x16xf32>,
      %swap3A_68 = vector.shape_cast %swap3A_67 : vector<1x16xf32> to vector<16xf32>
      %swap3A_69 = vector.shape_cast %broadcast_in_dim3A_64 : vector<16xf32> to vector<1x16xf32>
      tpu.vector_store %arg10[%swap3A_65, %swap3A_66], %swap3A_69 {strides = array<i32>} : memref<64x128xf32, #tpu.memory_space<vmem>>, vector<1x16xf32>,
      %broadcast_in_dim3A_70 = arith.constant 0.000000e+00 : f32
      %broadcast_in_dim3A_71 = vector.broadcast %broadcast_in_dim3A_70 : f32 to vector<16xf32>
      %swap3A_72 = arith.index_cast %add3A_22 : i32 to index
      %swap3A_73 = arith.constant 112 : index
      %swap3A_74 = tpu.vector_load %arg10[%swap3A_72, %swap3A_73] {strides = array<i32>} : memref<64x128xf32, #tpu.memory_space<vmem>>, vector<1x16xf32>,
      %swap3A_75 = vector.shape_cast %swap3A_74 : vector<1x16xf32> to vector<16xf32>
      %swap3A_76 = vector.shape_cast %broadcast_in_dim3A_71 : vector<16xf32> to vector<1x16xf32>
      tpu.vector_store %arg10[%swap3A_72, %swap3A_73], %swap3A_76 {strides = array<i32>} : memref<64x128xf32, #tpu.memory_space<vmem>>, vector<1x16xf32>,
    }
    %scan3A_4 = arith.constant 8 : i32
    %mul3A_5 = arith.constant 632 : i32
    %mul3A_6 = arith.muli %arg1, %mul3A_5 : i32
    %scan3A_7 = arith.constant 0 : i32
    %scan3A_8 = arith.constant 79 : i32
    %scan3A_9 = arith.addi %scan3A_7, %scan3A_8 : i32
    %scan3A_10 = arith.constant 1 : i32
    scf.for %scan3A_18 = %scan3A_7 to %scan3A_9 step %scan3A_10  : i32 {
      %mul3A_19 = arith.constant 1 : i32
      %mul3A_20 = arith.muli %scan3A_18, %mul3A_19 : i32
      %add3A_21 = arith.constant 0 : i32
      %add3A_22 = arith.addi %add3A_21, %mul3A_20 : i32
      %mul3A_23 = arith.constant 8 : i32
      %mul3A_24 = arith.muli %add3A_22, %mul3A_23 : i32
      %add3A_25 = arith.addi %mul3A_6, %mul3A_24 : i32
      "tpu.region"() ({
        %run_scoped3A = tpu.sem_alloc : memref<!tpu.dma_semaphore, #tpu.memory_space<semaphore_mem>>
        %dma_start3A = arith.constant 0 : i32
        %dma_start3A_26 = arith.constant 0 : i32
        %dma_start3A_27 = tpu.memref_slice %arg10[%dma_start3A, %dma_start3A_26] : memref<64x128xf32, #tpu.memory_space<vmem>> -> memref<8x128xf32, #tpu.memory_space<vmem>>
        %dma_start3A_28 = arith.constant 0 : i32
        %dma_start3A_29 = tpu.memref_slice %arg14[%add3A_25, %dma_start3A_28] : memref<10112x128xf32, #tpu.memory_space<vmem_shared>> -> memref<8x128xf32, #tpu.memory_space<vmem_shared>>
        %dma_start3A_30 = arith.constant 0 : i32
        %dma_start3A_31 = tpu.memref_slice %arg14[%add3A_25, %dma_start3A_30] : memref<10112x128xf32, #tpu.memory_space<vmem_shared>> -> memref<8x128xf32, #tpu.memory_space<vmem_shared>>
        %dma_start3A_32 = arith.constant 0 : i32
        %dma_start3A_33 = arith.constant 0 : i32
        %dma_start3A_34 = tpu.memref_slice %arg10[%dma_start3A_32, %dma_start3A_33] : memref<64x128xf32, #tpu.memory_space<vmem>> -> memref<8x128xf32, #tpu.memory_space<vmem>>
        tpu.enqueue_dma source(%dma_start3A_34 : memref<8x128xf32, #tpu.memory_space<vmem>>) target(%dma_start3A_31 : memref<8x128xf32, #tpu.memory_space<vmem_shared>>) target_semaphore(%run_scoped3A : memref<!tpu.dma_semaphore, #tpu.memory_space<semaphore_mem>>)
        %dma_wait3A = arith.constant 0 : i32
        %dma_wait3A_35 = arith.constant 0 : i32
        %dma_wait3A_36 = tpu.memref_slice %arg10[%dma_wait3A, %dma_wait3A_35] : memref<64x128xf32, #tpu.memory_space<vmem>> -> memref<8x128xf32, #tpu.memory_space<vmem>>
        %dma_wait3A_37 = arith.constant 0 : i32
        %dma_wait3A_38 = tpu.memref_slice %arg14[%add3A_25, %dma_wait3A_37] : memref<10112x128xf32, #tpu.memory_space<vmem_shared>> -> memref<8x128xf32, #tpu.memory_space<vmem_shared>>
        %dma_wait3A_39 = arith.constant 0 : i32
        %dma_wait3A_40 = tpu.memref_slice %arg14[%add3A_25, %dma_wait3A_39] : memref<10112x128xf32, #tpu.memory_space<vmem_shared>> -> memref<8x128xf32, #tpu.memory_space<vmem_shared>>
        %dma_wait3A_41 = arith.constant 0 : i32
        %dma_wait3A_42 = arith.constant 0 : i32
        %dma_wait3A_43 = tpu.memref_slice %arg10[%dma_wait3A_41, %dma_wait3A_42] : memref<64x128xf32, #tpu.memory_space<vmem>> -> memref<8x128xf32, #tpu.memory_space<vmem>>
        tpu.wait_dma2 semaphore(%run_scoped3A : memref<!tpu.dma_semaphore, #tpu.memory_space<semaphore_mem>>) src(%dma_wait3A_43 : memref<8x128xf32, #tpu.memory_space<vmem>>) dst(%dma_wait3A_40 : memref<8x128xf32, #tpu.memory_space<vmem_shared>>)
        tpu.yield
      }) : () -> ()
    }
    %scan3A_11 = arith.constant 79 : i32
    %barrier3A = arith.constant 0 : index
    tpu.barrier barrier_id(%barrier3A)
    %scan3A_12 = arith.constant 0 : i32
    %scan3A_13 = arith.constant 10 : i32
    %scan3A_14 = arith.addi %scan3A_12, %scan3A_13 : i32
    %scan3A_15 = arith.constant 1 : i32
    scf.for %scan3A_18 = %scan3A_12 to %scan3A_14 step %scan3A_15  : i32 {
      %mul3A_19 = arith.constant 1 : i32
      %mul3A_20 = arith.muli %scan3A_18, %mul3A_19 : i32
      %add3A_21 = arith.constant 0 : i32
      %add3A_22 = arith.addi %add3A_21, %mul3A_20 : i32
      %mul3A_23 = arith.constant 16 : i32
      %mul3A_24 = arith.muli %add3A_22, %mul3A_23 : i32
      "tpu.region"() ({
        %run_scoped3A = tpu.sem_alloc : memref<!tpu.dma_semaphore, #tpu.memory_space<semaphore_mem>>
        %dma_start3A = arith.constant 0 : i32
        %dma_start3A_32 = tpu.memref_slice %arg3[%add3A, %mul3A_24, %dma_start3A] : memref<32x160x64xi32, #tpu.memory_space<hbm>> -> memref<1x16x64xi32, #tpu.memory_space<hbm>>
        %dma_start3A_33 = tpu.memref_squeeze %dma_start3A_32 : memref<1x16x64xi32, #tpu.memory_space<hbm>> -> memref<16x64xi32, #tpu.memory_space<hbm>>
        %dma_start3A_34 = arith.constant 0 : i32
        %dma_start3A_35 = tpu.memref_slice %arg3[%add3A, %mul3A_24, %dma_start3A_34] : memref<32x160x64xi32, #tpu.memory_space<hbm>> -> memref<1x16x64xi32, #tpu.memory_space<hbm>>
        %dma_start3A_36 = tpu.memref_squeeze %dma_start3A_35 : memref<1x16x64xi32, #tpu.memory_space<hbm>> -> memref<16x64xi32, #tpu.memory_space<hbm>>
        tpu.enqueue_dma source(%dma_start3A_36 : memref<16x64xi32, #tpu.memory_space<hbm>>) target(%arg6 : memref<16x64xi32, #tpu.memory_space<vmem>>) target_semaphore(%run_scoped3A : memref<!tpu.dma_semaphore, #tpu.memory_space<semaphore_mem>>)
        %dma_wait3A = arith.constant 0 : i32
        %dma_wait3A_37 = tpu.memref_slice %arg3[%add3A, %mul3A_24, %dma_wait3A] : memref<32x160x64xi32, #tpu.memory_space<hbm>> -> memref<1x16x64xi32, #tpu.memory_space<hbm>>
        %dma_wait3A_38 = tpu.memref_squeeze %dma_wait3A_37 : memref<1x16x64xi32, #tpu.memory_space<hbm>> -> memref<16x64xi32, #tpu.memory_space<hbm>>
        %dma_wait3A_39 = arith.constant 0 : i32
        %dma_wait3A_40 = tpu.memref_slice %arg3[%add3A, %mul3A_24, %dma_wait3A_39] : memref<32x160x64xi32, #tpu.memory_space<hbm>> -> memref<1x16x64xi32, #tpu.memory_space<hbm>>
        %dma_wait3A_41 = tpu.memref_squeeze %dma_wait3A_40 : memref<1x16x64xi32, #tpu.memory_space<hbm>> -> memref<16x64xi32, #tpu.memory_space<hbm>>
        tpu.wait_dma2 semaphore(%run_scoped3A : memref<!tpu.dma_semaphore, #tpu.memory_space<semaphore_mem>>) src(%dma_wait3A_41 : memref<16x64xi32, #tpu.memory_space<hbm>>) dst(%arg6 : memref<16x64xi32, #tpu.memory_space<vmem>>)
        tpu.yield
      }) : () -> ()
      %mul3A_25 = arith.constant 16 : i32
      %mul3A_26 = arith.muli %add3A_22, %mul3A_25 : i32
      "tpu.region"() ({
        %run_scoped3A = tpu.sem_alloc : memref<!tpu.dma_semaphore, #tpu.memory_space<semaphore_mem>>
        %dma_start3A = arith.constant 0 : i32
        %dma_start3A_32 = tpu.memref_slice %arg4[%add3A, %mul3A_26, %dma_start3A] : memref<32x160x64xi32, #tpu.memory_space<hbm>> -> memref<1x16x64xi32, #tpu.memory_space<hbm>>
        %dma_start3A_33 = tpu.memref_squeeze %dma_start3A_32 : memref<1x16x64xi32, #tpu.memory_space<hbm>> -> memref<16x64xi32, #tpu.memory_space<hbm>>
        %dma_start3A_34 = arith.constant 0 : i32
        %dma_start3A_35 = tpu.memref_slice %arg4[%add3A, %mul3A_26, %dma_start3A_34] : memref<32x160x64xi32, #tpu.memory_space<hbm>> -> memref<1x16x64xi32, #tpu.memory_space<hbm>>
        %dma_start3A_36 = tpu.memref_squeeze %dma_start3A_35 : memref<1x16x64xi32, #tpu.memory_space<hbm>> -> memref<16x64xi32, #tpu.memory_space<hbm>>
        tpu.enqueue_dma source(%dma_start3A_36 : memref<16x64xi32, #tpu.memory_space<hbm>>) target(%arg7 : memref<16x64xi32, #tpu.memory_space<vmem>>) target_semaphore(%run_scoped3A : memref<!tpu.dma_semaphore, #tpu.memory_space<semaphore_mem>>)
        %dma_wait3A = arith.constant 0 : i32
        %dma_wait3A_37 = tpu.memref_slice %arg4[%add3A, %mul3A_26, %dma_wait3A] : memref<32x160x64xi32, #tpu.memory_space<hbm>> -> memref<1x16x64xi32, #tpu.memory_space<hbm>>
        %dma_wait3A_38 = tpu.memref_squeeze %dma_wait3A_37 : memref<1x16x64xi32, #tpu.memory_space<hbm>> -> memref<16x64xi32, #tpu.memory_space<hbm>>
        %dma_wait3A_39 = arith.constant 0 : i32
        %dma_wait3A_40 = tpu.memref_slice %arg4[%add3A, %mul3A_26, %dma_wait3A_39] : memref<32x160x64xi32, #tpu.memory_space<hbm>> -> memref<1x16x64xi32, #tpu.memory_space<hbm>>
        %dma_wait3A_41 = tpu.memref_squeeze %dma_wait3A_40 : memref<1x16x64xi32, #tpu.memory_space<hbm>> -> memref<16x64xi32, #tpu.memory_space<hbm>>
        tpu.wait_dma2 semaphore(%run_scoped3A : memref<!tpu.dma_semaphore, #tpu.memory_space<semaphore_mem>>) src(%dma_wait3A_41 : memref<16x64xi32, #tpu.memory_space<hbm>>) dst(%arg7 : memref<16x64xi32, #tpu.memory_space<vmem>>)
        tpu.yield
      }) : () -> ()
      %scan3A_27 = arith.constant 0 : i32
      %scan3A_28 = arith.constant 16 : i32
      %scan3A_29 = arith.addi %scan3A_27, %scan3A_28 : i32
      %scan3A_30 = arith.constant 1 : i32
      scf.for %scan3A_32 = %scan3A_27 to %scan3A_29 step %scan3A_30  : i32 {
        %mul3A_33 = arith.constant 1 : i32
        %mul3A_34 = arith.muli %scan3A_32, %mul3A_33 : i32
        %add3A_35 = arith.constant 0 : i32
        %add3A_36 = arith.addi %add3A_35, %mul3A_34 : i32
        "tpu.region"() ({
          %run_scoped3A = tpu.sem_alloc : memref<!tpu.dma_semaphore, #tpu.memory_space<semaphore_mem>>
          %dma_start3A = arith.constant 0 : i32
          %dma_start3A_37 = tpu.memref_slice %arg6[%add3A_36, %dma_start3A] : memref<16x64xi32, #tpu.memory_space<vmem>> -> memref<1x64xi32, #tpu.memory_space<vmem>>
          %dma_start3A_38 = tpu.memref_squeeze %dma_start3A_37 : memref<1x64xi32, #tpu.memory_space<vmem>> -> memref<64xi32, #tpu.memory_space<vmem>>
          %dma_start3A_39 = arith.constant 0 : i32
          %dma_start3A_40 = arith.constant 0 : i32
          %dma_start3A_41 = tpu.memref_slice %arg2[%dma_start3A_39, %dma_start3A_40] : memref<10000x128xf32, #tpu.memory_space<hbm>> -> memref<10000x128xf32, #tpu.memory_space<hbm>>
          tpu.enqueue_indirect_dma source(%dma_start3A_41 : memref<10000x128xf32, #tpu.memory_space<hbm>>) target(%arg10 : memref<64x128xf32, #tpu.memory_space<vmem>>) offsets(%dma_start3A_38 : memref<64xi32, #tpu.memory_space<vmem>>) semaphore(%run_scoped3A : memref<!tpu.dma_semaphore, #tpu.memory_space<semaphore_mem>>)
          %dma_wait3A = arith.constant 0 : i32
          %dma_wait3A_42 = tpu.memref_slice %arg6[%add3A_36, %dma_wait3A] : memref<16x64xi32, #tpu.memory_space<vmem>> -> memref<1x64xi32, #tpu.memory_space<vmem>>
          %dma_wait3A_43 = tpu.memref_squeeze %dma_wait3A_42 : memref<1x64xi32, #tpu.memory_space<vmem>> -> memref<64xi32, #tpu.memory_space<vmem>>
          %dma_wait3A_44 = arith.constant 0 : i32
          %dma_wait3A_45 = arith.constant 0 : i32
          %dma_wait3A_46 = tpu.memref_slice %arg2[%dma_wait3A_44, %dma_wait3A_45] : memref<10000x128xf32, #tpu.memory_space<hbm>> -> memref<10000x128xf32, #tpu.memory_space<hbm>>
          tpu.wait_indirect_dma semaphore(%run_scoped3A : memref<!tpu.dma_semaphore, #tpu.memory_space<semaphore_mem>>) src(%dma_wait3A_46 : memref<10000x128xf32, #tpu.memory_space<hbm>>) dst(%arg10 : memref<64x128xf32, #tpu.memory_space<vmem>>)
          tpu.yield
        }) : () -> ()
        "tpu.region"() ({
          %run_scoped3A = tpu.sem_alloc : memref<!tpu.dma_semaphore, #tpu.memory_space<semaphore_mem>>
          %dma_start3A = arith.constant 0 : i32
          %dma_start3A_37 = tpu.memref_slice %arg7[%add3A_36, %dma_start3A] : memref<16x64xi32, #tpu.memory_space<vmem>> -> memref<1x64xi32, #tpu.memory_space<vmem>>
          %dma_start3A_38 = tpu.memref_squeeze %dma_start3A_37 : memref<1x64xi32, #tpu.memory_space<vmem>> -> memref<64xi32, #tpu.memory_space<vmem>>
          %dma_start3A_39 = arith.constant 0 : i32
          %dma_start3A_40 = arith.constant 0 : i32
          %dma_start3A_41 = tpu.memref_slice %arg14[%dma_start3A_39, %dma_start3A_40] : memref<10112x128xf32, #tpu.memory_space<vmem_shared>> -> memref<10112x128xf32, #tpu.memory_space<vmem_shared>>
          tpu.enqueue_indirect_dma source(%arg10 : memref<64x128xf32, #tpu.memory_space<vmem>>) target(%dma_start3A_41 : memref<10112x128xf32, #tpu.memory_space<vmem_shared>>) offsets(%dma_start3A_38 : memref<64xi32, #tpu.memory_space<vmem>>) semaphore(%run_scoped3A : memref<!tpu.dma_semaphore, #tpu.memory_space<semaphore_mem>>) {add = true}
          %dma_wait3A = arith.constant 0 : i32
          %dma_wait3A_42 = tpu.memref_slice %arg7[%add3A_36, %dma_wait3A] : memref<16x64xi32, #tpu.memory_space<vmem>> -> memref<1x64xi32, #tpu.memory_space<vmem>>
          %dma_wait3A_43 = tpu.memref_squeeze %dma_wait3A_42 : memref<1x64xi32, #tpu.memory_space<vmem>> -> memref<64xi32, #tpu.memory_space<vmem>>
          %dma_wait3A_44 = arith.constant 0 : i32
          %dma_wait3A_45 = arith.constant 0 : i32
          %dma_wait3A_46 = tpu.memref_slice %arg14[%dma_wait3A_44, %dma_wait3A_45] : memref<10112x128xf32, #tpu.memory_space<vmem_shared>> -> memref<10112x128xf32, #tpu.memory_space<vmem_shared>>
          tpu.wait_indirect_dma semaphore(%run_scoped3A : memref<!tpu.dma_semaphore, #tpu.memory_space<semaphore_mem>>) src(%arg10 : memref<64x128xf32, #tpu.memory_space<vmem>>) dst(%dma_wait3A_46 : memref<10112x128xf32, #tpu.memory_space<vmem_shared>>)
          tpu.yield
        }) : () -> ()
      }
      %scan3A_31 = arith.constant 16 : i32
    }
    %scan3A_16 = arith.constant 10 : i32
    %barrier3A_17 = arith.constant 0 : index
    tpu.barrier barrier_id(%barrier3A_17)
    "tpu.region"() ({
      %run_scoped3A = tpu.sem_alloc : memref<!tpu.dma_semaphore, #tpu.memory_space<semaphore_mem>>
      %dma_start3A = arith.constant 0 : i32
      %dma_start3A_18 = tpu.memref_slice %arg5[%arg0, %mul3A_6, %dma_start3A] : memref<2x10112x128xf32, #tpu.memory_space<hbm>> -> memref<1x632x128xf32, #tpu.memory_space<hbm>>
      %dma_start3A_19 = tpu.memref_squeeze %dma_start3A_18 : memref<1x632x128xf32, #tpu.memory_space<hbm>> -> memref<632x128xf32, #tpu.memory_space<hbm>>
      %dma_start3A_20 = arith.constant 0 : i32
      %dma_start3A_21 = tpu.memref_slice %arg14[%mul3A_6, %dma_start3A_20] : memref<10112x128xf32, #tpu.memory_space<vmem_shared>> -> memref<632x128xf32, #tpu.memory_space<vmem_shared>>
      tpu.enqueue_dma source(%dma_start3A_21 : memref<632x128xf32, #tpu.memory_space<vmem_shared>>) target(%dma_start3A_19 : memref<632x128xf32, #tpu.memory_space<hbm>>) target_semaphore(%run_scoped3A : memref<!tpu.dma_semaphore, #tpu.memory_space<semaphore_mem>>)
      %dma_wait3A = arith.constant 0 : i32
      %dma_wait3A_22 = tpu.memref_slice %arg5[%arg0, %mul3A_6, %dma_wait3A] : memref<2x10112x128xf32, #tpu.memory_space<hbm>> -> memref<1x632x128xf32, #tpu.memory_space<hbm>>
      %dma_wait3A_23 = tpu.memref_squeeze %dma_wait3A_22 : memref<1x632x128xf32, #tpu.memory_space<hbm>> -> memref<632x128xf32, #tpu.memory_space<hbm>>
      %dma_wait3A_24 = arith.constant 0 : i32
      %dma_wait3A_25 = tpu.memref_slice %arg14[%mul3A_6, %dma_wait3A_24] : memref<10112x128xf32, #tpu.memory_space<vmem_shared>> -> memref<632x128xf32, #tpu.memory_space<vmem_shared>>
      tpu.wait_dma2 semaphore(%run_scoped3A : memref<!tpu.dma_semaphore, #tpu.memory_space<semaphore_mem>>) src(%dma_wait3A_25 : memref<632x128xf32, #tpu.memory_space<vmem_shared>>) dst(%dma_wait3A_23 : memref<632x128xf32, #tpu.memory_space<hbm>>)
      tpu.yield
    }) : () -> ()
    return
  }
}

#map = affine_map<(d0, d1) -> (0, 0, 0)>
module attributes {stable_mosaic.version = 14 : i64} {
  func.func @_sc_degree(%arg0: i32, %arg1: i32, %arg2: memref<32x160x64xi32, #tpu.memory_space<hbm>>, %arg3: memref<2x10112x16xf32, #tpu.memory_space<hbm>>, %arg4: memref<16x64xi32, #tpu.memory_space<vmem>>, %arg5: memref<64x16xf32, #tpu.memory_space<vmem>>, %arg6: memref<8x16xf32, #tpu.memory_space<vmem>>, %arg7: memref<10112x16xf32, #tpu.memory_space<vmem_shared>>) attributes {dimension_semantics = [#tpu.dimension_semantics<core_parallel>, #tpu.dimension_semantics<subcore_parallel>], iteration_bounds = array<i64: 2, 16>, scalar_prefetch = 0 : i64, scratch_operands = 4 : i64, tpu.core_type = #tpu.core_type<sc_vector_subcore>, window_params = [{transform_indices = #map}, {transform_indices = #map}]} {
    %mul3A = arith.constant 16 : i32
    %mul3A_0 = arith.muli %arg0, %mul3A : i32
    %add3A = arith.addi %mul3A_0, %arg1 : i32
    %scan3A = arith.constant 0 : i32
    %scan3A_1 = arith.constant 64 : i32
    %scan3A_2 = arith.addi %scan3A, %scan3A_1 : i32
    %scan3A_3 = arith.constant 1 : i32
    scf.for %scan3A_23 = %scan3A to %scan3A_2 step %scan3A_3  : i32 {
      %mul3A_24 = arith.constant 1 : i32
      %mul3A_25 = arith.muli %scan3A_23, %mul3A_24 : i32
      %add3A_26 = arith.constant 0 : i32
      %add3A_27 = arith.addi %add3A_26, %mul3A_25 : i32
      %broadcast_in_dim3A = arith.constant 1.000000e+00 : f32
      %broadcast_in_dim3A_28 = vector.broadcast %broadcast_in_dim3A : f32 to vector<16xf32>
      %swap3A = arith.index_cast %add3A_27 : i32 to index
      %swap3A_29 = arith.constant 0 : index
      %swap3A_30 = tpu.vector_load %arg5[%swap3A, %swap3A_29] {strides = array<i32>} : memref<64x16xf32, #tpu.memory_space<vmem>>, vector<1x16xf32>,
      %swap3A_31 = vector.shape_cast %swap3A_30 : vector<1x16xf32> to vector<16xf32>
      %swap3A_32 = vector.shape_cast %broadcast_in_dim3A_28 : vector<16xf32> to vector<1x16xf32>
      tpu.vector_store %arg5[%swap3A, %swap3A_29], %swap3A_32 {strides = array<i32>} : memref<64x16xf32, #tpu.memory_space<vmem>>, vector<1x16xf32>,
    }
    %scan3A_4 = arith.constant 64 : i32
    %scan3A_5 = arith.constant 0 : i32
    %scan3A_6 = arith.constant 8 : i32
    %scan3A_7 = arith.addi %scan3A_5, %scan3A_6 : i32
    %scan3A_8 = arith.constant 1 : i32
    scf.for %scan3A_23 = %scan3A_5 to %scan3A_7 step %scan3A_8  : i32 {
      %mul3A_24 = arith.constant 1 : i32
      %mul3A_25 = arith.muli %scan3A_23, %mul3A_24 : i32
      %add3A_26 = arith.constant 0 : i32
      %add3A_27 = arith.addi %add3A_26, %mul3A_25 : i32
      %broadcast_in_dim3A = arith.constant 0.000000e+00 : f32
      %broadcast_in_dim3A_28 = vector.broadcast %broadcast_in_dim3A : f32 to vector<16xf32>
      %swap3A = arith.index_cast %add3A_27 : i32 to index
      %swap3A_29 = arith.constant 0 : index
      %swap3A_30 = tpu.vector_load %arg6[%swap3A, %swap3A_29] {strides = array<i32>} : memref<8x16xf32, #tpu.memory_space<vmem>>, vector<1x16xf32>,
      %swap3A_31 = vector.shape_cast %swap3A_30 : vector<1x16xf32> to vector<16xf32>
      %swap3A_32 = vector.shape_cast %broadcast_in_dim3A_28 : vector<16xf32> to vector<1x16xf32>
      tpu.vector_store %arg6[%swap3A, %swap3A_29], %swap3A_32 {strides = array<i32>} : memref<8x16xf32, #tpu.memory_space<vmem>>, vector<1x16xf32>,
    }
    %scan3A_9 = arith.constant 8 : i32
    %mul3A_10 = arith.constant 632 : i32
    %mul3A_11 = arith.muli %arg1, %mul3A_10 : i32
    %scan3A_12 = arith.constant 0 : i32
    %scan3A_13 = arith.constant 79 : i32
    %scan3A_14 = arith.addi %scan3A_12, %scan3A_13 : i32
    %scan3A_15 = arith.constant 1 : i32
    scf.for %scan3A_23 = %scan3A_12 to %scan3A_14 step %scan3A_15  : i32 {
      %mul3A_24 = arith.constant 1 : i32
      %mul3A_25 = arith.muli %scan3A_23, %mul3A_24 : i32
      %add3A_26 = arith.constant 0 : i32
      %add3A_27 = arith.addi %add3A_26, %mul3A_25 : i32
      %mul3A_28 = arith.constant 8 : i32
      %mul3A_29 = arith.muli %add3A_27, %mul3A_28 : i32
      %add3A_30 = arith.addi %mul3A_11, %mul3A_29 : i32
      "tpu.region"() ({
        %run_scoped3A = tpu.sem_alloc : memref<!tpu.dma_semaphore, #tpu.memory_space<semaphore_mem>>
        %dma_start3A = arith.constant 0 : i32
        %dma_start3A_31 = tpu.memref_slice %arg7[%add3A_30, %dma_start3A] : memref<10112x16xf32, #tpu.memory_space<vmem_shared>> -> memref<8x16xf32, #tpu.memory_space<vmem_shared>>
        %dma_start3A_32 = arith.constant 0 : i32
        %dma_start3A_33 = tpu.memref_slice %arg7[%add3A_30, %dma_start3A_32] : memref<10112x16xf32, #tpu.memory_space<vmem_shared>> -> memref<8x16xf32, #tpu.memory_space<vmem_shared>>
        tpu.enqueue_dma source(%arg6 : memref<8x16xf32, #tpu.memory_space<vmem>>) target(%dma_start3A_33 : memref<8x16xf32, #tpu.memory_space<vmem_shared>>) target_semaphore(%run_scoped3A : memref<!tpu.dma_semaphore, #tpu.memory_space<semaphore_mem>>)
        %dma_wait3A = arith.constant 0 : i32
        %dma_wait3A_34 = tpu.memref_slice %arg7[%add3A_30, %dma_wait3A] : memref<10112x16xf32, #tpu.memory_space<vmem_shared>> -> memref<8x16xf32, #tpu.memory_space<vmem_shared>>
        %dma_wait3A_35 = arith.constant 0 : i32
        %dma_wait3A_36 = tpu.memref_slice %arg7[%add3A_30, %dma_wait3A_35] : memref<10112x16xf32, #tpu.memory_space<vmem_shared>> -> memref<8x16xf32, #tpu.memory_space<vmem_shared>>
        tpu.wait_dma2 semaphore(%run_scoped3A : memref<!tpu.dma_semaphore, #tpu.memory_space<semaphore_mem>>) src(%arg6 : memref<8x16xf32, #tpu.memory_space<vmem>>) dst(%dma_wait3A_36 : memref<8x16xf32, #tpu.memory_space<vmem_shared>>)
        tpu.yield
      }) : () -> ()
    }
    %scan3A_16 = arith.constant 79 : i32
    %barrier3A = arith.constant 0 : index
    tpu.barrier barrier_id(%barrier3A)
    %scan3A_17 = arith.constant 0 : i32
    %scan3A_18 = arith.constant 10 : i32
    %scan3A_19 = arith.addi %scan3A_17, %scan3A_18 : i32
    %scan3A_20 = arith.constant 1 : i32
    scf.for %scan3A_23 = %scan3A_17 to %scan3A_19 step %scan3A_20  : i32 {
      %mul3A_24 = arith.constant 1 : i32
      %mul3A_25 = arith.muli %scan3A_23, %mul3A_24 : i32
      %add3A_26 = arith.constant 0 : i32
      %add3A_27 = arith.addi %add3A_26, %mul3A_25 : i32
      %mul3A_28 = arith.constant 16 : i32
      %mul3A_29 = arith.muli %add3A_27, %mul3A_28 : i32
      "tpu.region"() ({
        %run_scoped3A = tpu.sem_alloc : memref<!tpu.dma_semaphore, #tpu.memory_space<semaphore_mem>>
        %dma_start3A = arith.constant 0 : i32
        %dma_start3A_35 = tpu.memref_slice %arg2[%add3A, %mul3A_29, %dma_start3A] : memref<32x160x64xi32, #tpu.memory_space<hbm>> -> memref<1x16x64xi32, #tpu.memory_space<hbm>>
        %dma_start3A_36 = tpu.memref_squeeze %dma_start3A_35 : memref<1x16x64xi32, #tpu.memory_space<hbm>> -> memref<16x64xi32, #tpu.memory_space<hbm>>
        %dma_start3A_37 = arith.constant 0 : i32
        %dma_start3A_38 = tpu.memref_slice %arg2[%add3A, %mul3A_29, %dma_start3A_37] : memref<32x160x64xi32, #tpu.memory_space<hbm>> -> memref<1x16x64xi32, #tpu.memory_space<hbm>>
        %dma_start3A_39 = tpu.memref_squeeze %dma_start3A_38 : memref<1x16x64xi32, #tpu.memory_space<hbm>> -> memref<16x64xi32, #tpu.memory_space<hbm>>
        tpu.enqueue_dma source(%dma_start3A_39 : memref<16x64xi32, #tpu.memory_space<hbm>>) target(%arg4 : memref<16x64xi32, #tpu.memory_space<vmem>>) target_semaphore(%run_scoped3A : memref<!tpu.dma_semaphore, #tpu.memory_space<semaphore_mem>>)
        %dma_wait3A = arith.constant 0 : i32
        %dma_wait3A_40 = tpu.memref_slice %arg2[%add3A, %mul3A_29, %dma_wait3A] : memref<32x160x64xi32, #tpu.memory_space<hbm>> -> memref<1x16x64xi32, #tpu.memory_space<hbm>>
        %dma_wait3A_41 = tpu.memref_squeeze %dma_wait3A_40 : memref<1x16x64xi32, #tpu.memory_space<hbm>> -> memref<16x64xi32, #tpu.memory_space<hbm>>
        %dma_wait3A_42 = arith.constant 0 : i32
        %dma_wait3A_43 = tpu.memref_slice %arg2[%add3A, %mul3A_29, %dma_wait3A_42] : memref<32x160x64xi32, #tpu.memory_space<hbm>> -> memref<1x16x64xi32, #tpu.memory_space<hbm>>
        %dma_wait3A_44 = tpu.memref_squeeze %dma_wait3A_43 : memref<1x16x64xi32, #tpu.memory_space<hbm>> -> memref<16x64xi32, #tpu.memory_space<hbm>>
        tpu.wait_dma2 semaphore(%run_scoped3A : memref<!tpu.dma_semaphore, #tpu.memory_space<semaphore_mem>>) src(%dma_wait3A_44 : memref<16x64xi32, #tpu.memory_space<hbm>>) dst(%arg4 : memref<16x64xi32, #tpu.memory_space<vmem>>)
        tpu.yield
      }) : () -> ()
      %scan3A_30 = arith.constant 0 : i32
      %scan3A_31 = arith.constant 16 : i32
      %scan3A_32 = arith.addi %scan3A_30, %scan3A_31 : i32
      %scan3A_33 = arith.constant 1 : i32
      scf.for %scan3A_35 = %scan3A_30 to %scan3A_32 step %scan3A_33  : i32 {
        %mul3A_36 = arith.constant 1 : i32
        %mul3A_37 = arith.muli %scan3A_35, %mul3A_36 : i32
        %add3A_38 = arith.constant 0 : i32
        %add3A_39 = arith.addi %add3A_38, %mul3A_37 : i32
        "tpu.region"() ({
          %run_scoped3A = tpu.sem_alloc : memref<!tpu.dma_semaphore, #tpu.memory_space<semaphore_mem>>
          %dma_start3A = arith.constant 0 : i32
          %dma_start3A_40 = tpu.memref_slice %arg4[%add3A_39, %dma_start3A] : memref<16x64xi32, #tpu.memory_space<vmem>> -> memref<1x64xi32, #tpu.memory_space<vmem>>
          %dma_start3A_41 = tpu.memref_squeeze %dma_start3A_40 : memref<1x64xi32, #tpu.memory_space<vmem>> -> memref<64xi32, #tpu.memory_space<vmem>>
          %dma_start3A_42 = arith.constant 0 : i32
          %dma_start3A_43 = arith.constant 0 : i32
          %dma_start3A_44 = tpu.memref_slice %arg7[%dma_start3A_42, %dma_start3A_43] : memref<10112x16xf32, #tpu.memory_space<vmem_shared>> -> memref<10112x16xf32, #tpu.memory_space<vmem_shared>>
          tpu.enqueue_indirect_dma source(%arg5 : memref<64x16xf32, #tpu.memory_space<vmem>>) target(%dma_start3A_44 : memref<10112x16xf32, #tpu.memory_space<vmem_shared>>) offsets(%dma_start3A_41 : memref<64xi32, #tpu.memory_space<vmem>>) semaphore(%run_scoped3A : memref<!tpu.dma_semaphore, #tpu.memory_space<semaphore_mem>>) {add = true}
          %dma_wait3A = arith.constant 0 : i32
          %dma_wait3A_45 = tpu.memref_slice %arg4[%add3A_39, %dma_wait3A] : memref<16x64xi32, #tpu.memory_space<vmem>> -> memref<1x64xi32, #tpu.memory_space<vmem>>
          %dma_wait3A_46 = tpu.memref_squeeze %dma_wait3A_45 : memref<1x64xi32, #tpu.memory_space<vmem>> -> memref<64xi32, #tpu.memory_space<vmem>>
          %dma_wait3A_47 = arith.constant 0 : i32
          %dma_wait3A_48 = arith.constant 0 : i32
          %dma_wait3A_49 = tpu.memref_slice %arg7[%dma_wait3A_47, %dma_wait3A_48] : memref<10112x16xf32, #tpu.memory_space<vmem_shared>> -> memref<10112x16xf32, #tpu.memory_space<vmem_shared>>
          tpu.wait_indirect_dma semaphore(%run_scoped3A : memref<!tpu.dma_semaphore, #tpu.memory_space<semaphore_mem>>) src(%arg5 : memref<64x16xf32, #tpu.memory_space<vmem>>) dst(%dma_wait3A_49 : memref<10112x16xf32, #tpu.memory_space<vmem_shared>>)
          tpu.yield
        }) : () -> ()
      }
      %scan3A_34 = arith.constant 16 : i32
    }
    %scan3A_21 = arith.constant 10 : i32
    %barrier3A_22 = arith.constant 0 : index
    tpu.barrier barrier_id(%barrier3A_22)
    "tpu.region"() ({
      %run_scoped3A = tpu.sem_alloc : memref<!tpu.dma_semaphore, #tpu.memory_space<semaphore_mem>>
      %dma_start3A = arith.constant 0 : i32
      %dma_start3A_23 = tpu.memref_slice %arg3[%arg0, %mul3A_11, %dma_start3A] : memref<2x10112x16xf32, #tpu.memory_space<hbm>> -> memref<1x632x16xf32, #tpu.memory_space<hbm>>
      %dma_start3A_24 = tpu.memref_squeeze %dma_start3A_23 : memref<1x632x16xf32, #tpu.memory_space<hbm>> -> memref<632x16xf32, #tpu.memory_space<hbm>>
      %dma_start3A_25 = arith.constant 0 : i32
      %dma_start3A_26 = tpu.memref_slice %arg7[%mul3A_11, %dma_start3A_25] : memref<10112x16xf32, #tpu.memory_space<vmem_shared>> -> memref<632x16xf32, #tpu.memory_space<vmem_shared>>
      tpu.enqueue_dma source(%dma_start3A_26 : memref<632x16xf32, #tpu.memory_space<vmem_shared>>) target(%dma_start3A_24 : memref<632x16xf32, #tpu.memory_space<hbm>>) target_semaphore(%run_scoped3A : memref<!tpu.dma_semaphore, #tpu.memory_space<semaphore_mem>>)
      %dma_wait3A = arith.constant 0 : i32
      %dma_wait3A_27 = tpu.memref_slice %arg3[%arg0, %mul3A_11, %dma_wait3A] : memref<2x10112x16xf32, #tpu.memory_space<hbm>> -> memref<1x632x16xf32, #tpu.memory_space<hbm>>
      %dma_wait3A_28 = tpu.memref_squeeze %dma_wait3A_27 : memref<1x632x16xf32, #tpu.memory_space<hbm>> -> memref<632x16xf32, #tpu.memory_space<hbm>>
      %dma_wait3A_29 = arith.constant 0 : i32
      %dma_wait3A_30 = tpu.memref_slice %arg7[%mul3A_11, %dma_wait3A_29] : memref<10112x16xf32, #tpu.memory_space<vmem_shared>> -> memref<632x16xf32, #tpu.memory_space<vmem_shared>>
      tpu.wait_dma2 semaphore(%run_scoped3A : memref<!tpu.dma_semaphore, #tpu.memory_space<semaphore_mem>>) src(%dma_wait3A_30 : memref<632x16xf32, #tpu.memory_space<vmem_shared>>) dst(%dma_wait3A_28 : memref<632x16xf32, #tpu.memory_space<hbm>>)
      tpu.yield
    }) : () -> ()
    return
  }
}

#map = affine_map<(d0, d1) -> (0, 0)>
#map1 = affine_map<(d0, d1) -> (0, 0, 0)>
module attributes {stable_mosaic.version = 14 : i64} {
  func.func @_sc_propagate(%arg0: i32, %arg1: i32, %arg2: memref<10000x128xf32, #tpu.memory_space<hbm>>, %arg3: memref<32x160x64xi32, #tpu.memory_space<hbm>>, %arg4: memref<32x160x64xi32, #tpu.memory_space<hbm>>, %arg5: memref<2x10112x128xf32, #tpu.memory_space<hbm>>, %arg6: memref<16x64xi32, #tpu.memory_space<vmem>>, %arg7: memref<16x64xi32, #tpu.memory_space<vmem>>, %arg8: memref<16x64xi32, #tpu.memory_space<vmem>>, %arg9: memref<16x64xi32, #tpu.memory_space<vmem>>, %arg10: memref<64x128xf32, #tpu.memory_space<vmem>>, %arg11: memref<64x128xf32, #tpu.memory_space<vmem>>, %arg12: memref<64x128xf32, #tpu.memory_space<vmem>>, %arg13: memref<64x128xf32, #tpu.memory_space<vmem>>, %arg14: memref<10112x128xf32, #tpu.memory_space<vmem_shared>>, %arg15: memref<!tpu.dma_semaphore, #tpu.memory_space<semaphore_mem>>, %arg16: memref<!tpu.dma_semaphore, #tpu.memory_space<semaphore_mem>>, %arg17: memref<!tpu.dma_semaphore, #tpu.memory_space<semaphore_mem>>, %arg18: memref<!tpu.dma_semaphore, #tpu.memory_space<semaphore_mem>>, %arg19: memref<!tpu.dma_semaphore, #tpu.memory_space<semaphore_mem>>, %arg20: memref<!tpu.dma_semaphore, #tpu.memory_space<semaphore_mem>>, %arg21: memref<!tpu.dma_semaphore, #tpu.memory_space<semaphore_mem>>, %arg22: memref<!tpu.dma_semaphore, #tpu.memory_space<semaphore_mem>>, %arg23: memref<!tpu.dma_semaphore, #tpu.memory_space<semaphore_mem>>, %arg24: memref<!tpu.dma_semaphore, #tpu.memory_space<semaphore_mem>>) attributes {dimension_semantics = [#tpu.dimension_semantics<core_parallel>, #tpu.dimension_semantics<subcore_parallel>], iteration_bounds = array<i64: 2, 16>, scalar_prefetch = 0 : i64, scratch_operands = 19 : i64, tpu.core_type = #tpu.core_type<sc_vector_subcore>, window_params = [{transform_indices = #map}, {transform_indices = #map1}, {transform_indices = #map1}, {transform_indices = #map1}]} {
    %mul3A = arith.constant 16 : i32
    %mul3A_0 = arith.muli %arg0, %mul3A : i32
    %add3A = arith.addi %mul3A_0, %arg1 : i32
    %scan3A = arith.constant 0 : i32
    %scan3A_1 = arith.constant 8 : i32
    %scan3A_2 = arith.addi %scan3A, %scan3A_1 : i32
    %scan3A_3 = arith.constant 1 : i32
    scf.for %scan3A_18 = %scan3A to %scan3A_2 step %scan3A_3  : i32 {
      %mul3A_19 = arith.constant 1 : i32
      %mul3A_20 = arith.muli %scan3A_18, %mul3A_19 : i32
      %add3A_21 = arith.constant 0 : i32
      %add3A_22 = arith.addi %add3A_21, %mul3A_20 : i32
      %broadcast_in_dim3A = arith.constant 0.000000e+00 : f32
      %broadcast_in_dim3A_23 = vector.broadcast %broadcast_in_dim3A : f32 to vector<16xf32>
      %swap3A = arith.index_cast %add3A_22 : i32 to index
      %swap3A_24 = arith.constant 0 : index
      %swap3A_25 = tpu.vector_load %arg10[%swap3A, %swap3A_24] {strides = array<i32>} : memref<64x128xf32, #tpu.memory_space<vmem>>, vector<1x16xf32>,
      %swap3A_26 = vector.shape_cast %swap3A_25 : vector<1x16xf32> to vector<16xf32>
      %swap3A_27 = vector.shape_cast %broadcast_in_dim3A_23 : vector<16xf32> to vector<1x16xf32>
      tpu.vector_store %arg10[%swap3A, %swap3A_24], %swap3A_27 {strides = array<i32>} : memref<64x128xf32, #tpu.memory_space<vmem>>, vector<1x16xf32>,
      %broadcast_in_dim3A_28 = arith.constant 0.000000e+00 : f32
      %broadcast_in_dim3A_29 = vector.broadcast %broadcast_in_dim3A_28 : f32 to vector<16xf32>
      %swap3A_30 = arith.index_cast %add3A_22 : i32 to index
      %swap3A_31 = arith.constant 16 : index
      %swap3A_32 = tpu.vector_load %arg10[%swap3A_30, %swap3A_31] {strides = array<i32>} : memref<64x128xf32, #tpu.memory_space<vmem>>, vector<1x16xf32>,
      %swap3A_33 = vector.shape_cast %swap3A_32 : vector<1x16xf32> to vector<16xf32>
      %swap3A_34 = vector.shape_cast %broadcast_in_dim3A_29 : vector<16xf32> to vector<1x16xf32>
      tpu.vector_store %arg10[%swap3A_30, %swap3A_31], %swap3A_34 {strides = array<i32>} : memref<64x128xf32, #tpu.memory_space<vmem>>, vector<1x16xf32>,
      %broadcast_in_dim3A_35 = arith.constant 0.000000e+00 : f32
      %broadcast_in_dim3A_36 = vector.broadcast %broadcast_in_dim3A_35 : f32 to vector<16xf32>
      %swap3A_37 = arith.index_cast %add3A_22 : i32 to index
      %swap3A_38 = arith.constant 32 : index
      %swap3A_39 = tpu.vector_load %arg10[%swap3A_37, %swap3A_38] {strides = array<i32>} : memref<64x128xf32, #tpu.memory_space<vmem>>, vector<1x16xf32>,
      %swap3A_40 = vector.shape_cast %swap3A_39 : vector<1x16xf32> to vector<16xf32>
      %swap3A_41 = vector.shape_cast %broadcast_in_dim3A_36 : vector<16xf32> to vector<1x16xf32>
      tpu.vector_store %arg10[%swap3A_37, %swap3A_38], %swap3A_41 {strides = array<i32>} : memref<64x128xf32, #tpu.memory_space<vmem>>, vector<1x16xf32>,
      %broadcast_in_dim3A_42 = arith.constant 0.000000e+00 : f32
      %broadcast_in_dim3A_43 = vector.broadcast %broadcast_in_dim3A_42 : f32 to vector<16xf32>
      %swap3A_44 = arith.index_cast %add3A_22 : i32 to index
      %swap3A_45 = arith.constant 48 : index
      %swap3A_46 = tpu.vector_load %arg10[%swap3A_44, %swap3A_45] {strides = array<i32>} : memref<64x128xf32, #tpu.memory_space<vmem>>, vector<1x16xf32>,
      %swap3A_47 = vector.shape_cast %swap3A_46 : vector<1x16xf32> to vector<16xf32>
      %swap3A_48 = vector.shape_cast %broadcast_in_dim3A_43 : vector<16xf32> to vector<1x16xf32>
      tpu.vector_store %arg10[%swap3A_44, %swap3A_45], %swap3A_48 {strides = array<i32>} : memref<64x128xf32, #tpu.memory_space<vmem>>, vector<1x16xf32>,
      %broadcast_in_dim3A_49 = arith.constant 0.000000e+00 : f32
      %broadcast_in_dim3A_50 = vector.broadcast %broadcast_in_dim3A_49 : f32 to vector<16xf32>
      %swap3A_51 = arith.index_cast %add3A_22 : i32 to index
      %swap3A_52 = arith.constant 64 : index
      %swap3A_53 = tpu.vector_load %arg10[%swap3A_51, %swap3A_52] {strides = array<i32>} : memref<64x128xf32, #tpu.memory_space<vmem>>, vector<1x16xf32>,
      %swap3A_54 = vector.shape_cast %swap3A_53 : vector<1x16xf32> to vector<16xf32>
      %swap3A_55 = vector.shape_cast %broadcast_in_dim3A_50 : vector<16xf32> to vector<1x16xf32>
      tpu.vector_store %arg10[%swap3A_51, %swap3A_52], %swap3A_55 {strides = array<i32>} : memref<64x128xf32, #tpu.memory_space<vmem>>, vector<1x16xf32>,
      %broadcast_in_dim3A_56 = arith.constant 0.000000e+00 : f32
      %broadcast_in_dim3A_57 = vector.broadcast %broadcast_in_dim3A_56 : f32 to vector<16xf32>
      %swap3A_58 = arith.index_cast %add3A_22 : i32 to index
      %swap3A_59 = arith.constant 80 : index
      %swap3A_60 = tpu.vector_load %arg10[%swap3A_58, %swap3A_59] {strides = array<i32>} : memref<64x128xf32, #tpu.memory_space<vmem>>, vector<1x16xf32>,
      %swap3A_61 = vector.shape_cast %swap3A_60 : vector<1x16xf32> to vector<16xf32>
      %swap3A_62 = vector.shape_cast %broadcast_in_dim3A_57 : vector<16xf32> to vector<1x16xf32>
      tpu.vector_store %arg10[%swap3A_58, %swap3A_59], %swap3A_62 {strides = array<i32>} : memref<64x128xf32, #tpu.memory_space<vmem>>, vector<1x16xf32>,
      %broadcast_in_dim3A_63 = arith.constant 0.000000e+00 : f32
      %broadcast_in_dim3A_64 = vector.broadcast %broadcast_in_dim3A_63 : f32 to vector<16xf32>
      %swap3A_65 = arith.index_cast %add3A_22 : i32 to index
      %swap3A_66 = arith.constant 96 : index
      %swap3A_67 = tpu.vector_load %arg10[%swap3A_65, %swap3A_66] {strides = array<i32>} : memref<64x128xf32, #tpu.memory_space<vmem>>, vector<1x16xf32>,
      %swap3A_68 = vector.shape_cast %swap3A_67 : vector<1x16xf32> to vector<16xf32>
      %swap3A_69 = vector.shape_cast %broadcast_in_dim3A_64 : vector<16xf32> to vector<1x16xf32>
      tpu.vector_store %arg10[%swap3A_65, %swap3A_66], %swap3A_69 {strides = array<i32>} : memref<64x128xf32, #tpu.memory_space<vmem>>, vector<1x16xf32>,
      %broadcast_in_dim3A_70 = arith.constant 0.000000e+00 : f32
      %broadcast_in_dim3A_71 = vector.broadcast %broadcast_in_dim3A_70 : f32 to vector<16xf32>
      %swap3A_72 = arith.index_cast %add3A_22 : i32 to index
      %swap3A_73 = arith.constant 112 : index
      %swap3A_74 = tpu.vector_load %arg10[%swap3A_72, %swap3A_73] {strides = array<i32>} : memref<64x128xf32, #tpu.memory_space<vmem>>, vector<1x16xf32>,
      %swap3A_75 = vector.shape_cast %swap3A_74 : vector<1x16xf32> to vector<16xf32>
      %swap3A_76 = vector.shape_cast %broadcast_in_dim3A_71 : vector<16xf32> to vector<1x16xf32>
      tpu.vector_store %arg10[%swap3A_72, %swap3A_73], %swap3A_76 {strides = array<i32>} : memref<64x128xf32, #tpu.memory_space<vmem>>, vector<1x16xf32>,
    }
    %scan3A_4 = arith.constant 8 : i32
    %mul3A_5 = arith.constant 632 : i32
    %mul3A_6 = arith.muli %arg1, %mul3A_5 : i32
    %scan3A_7 = arith.constant 0 : i32
    %scan3A_8 = arith.constant 79 : i32
    %scan3A_9 = arith.addi %scan3A_7, %scan3A_8 : i32
    %scan3A_10 = arith.constant 1 : i32
    scf.for %scan3A_18 = %scan3A_7 to %scan3A_9 step %scan3A_10  : i32 {
      %mul3A_19 = arith.constant 1 : i32
      %mul3A_20 = arith.muli %scan3A_18, %mul3A_19 : i32
      %add3A_21 = arith.constant 0 : i32
      %add3A_22 = arith.addi %add3A_21, %mul3A_20 : i32
      %mul3A_23 = arith.constant 8 : i32
      %mul3A_24 = arith.muli %add3A_22, %mul3A_23 : i32
      %add3A_25 = arith.addi %mul3A_6, %mul3A_24 : i32
      "tpu.region"() ({
        %run_scoped3A = tpu.sem_alloc : memref<!tpu.dma_semaphore, #tpu.memory_space<semaphore_mem>>
        %dma_start3A = arith.constant 0 : i32
        %dma_start3A_26 = arith.constant 0 : i32
        %dma_start3A_27 = tpu.memref_slice %arg10[%dma_start3A, %dma_start3A_26] : memref<64x128xf32, #tpu.memory_space<vmem>> -> memref<8x128xf32, #tpu.memory_space<vmem>>
        %dma_start3A_28 = arith.constant 0 : i32
        %dma_start3A_29 = tpu.memref_slice %arg14[%add3A_25, %dma_start3A_28] : memref<10112x128xf32, #tpu.memory_space<vmem_shared>> -> memref<8x128xf32, #tpu.memory_space<vmem_shared>>
        %dma_start3A_30 = arith.constant 0 : i32
        %dma_start3A_31 = tpu.memref_slice %arg14[%add3A_25, %dma_start3A_30] : memref<10112x128xf32, #tpu.memory_space<vmem_shared>> -> memref<8x128xf32, #tpu.memory_space<vmem_shared>>
        %dma_start3A_32 = arith.constant 0 : i32
        %dma_start3A_33 = arith.constant 0 : i32
        %dma_start3A_34 = tpu.memref_slice %arg10[%dma_start3A_32, %dma_start3A_33] : memref<64x128xf32, #tpu.memory_space<vmem>> -> memref<8x128xf32, #tpu.memory_space<vmem>>
        tpu.enqueue_dma source(%dma_start3A_34 : memref<8x128xf32, #tpu.memory_space<vmem>>) target(%dma_start3A_31 : memref<8x128xf32, #tpu.memory_space<vmem_shared>>) target_semaphore(%run_scoped3A : memref<!tpu.dma_semaphore, #tpu.memory_space<semaphore_mem>>)
        %dma_wait3A = arith.constant 0 : i32
        %dma_wait3A_35 = arith.constant 0 : i32
        %dma_wait3A_36 = tpu.memref_slice %arg10[%dma_wait3A, %dma_wait3A_35] : memref<64x128xf32, #tpu.memory_space<vmem>> -> memref<8x128xf32, #tpu.memory_space<vmem>>
        %dma_wait3A_37 = arith.constant 0 : i32
        %dma_wait3A_38 = tpu.memref_slice %arg14[%add3A_25, %dma_wait3A_37] : memref<10112x128xf32, #tpu.memory_space<vmem_shared>> -> memref<8x128xf32, #tpu.memory_space<vmem_shared>>
        %dma_wait3A_39 = arith.constant 0 : i32
        %dma_wait3A_40 = tpu.memref_slice %arg14[%add3A_25, %dma_wait3A_39] : memref<10112x128xf32, #tpu.memory_space<vmem_shared>> -> memref<8x128xf32, #tpu.memory_space<vmem_shared>>
        %dma_wait3A_41 = arith.constant 0 : i32
        %dma_wait3A_42 = arith.constant 0 : i32
        %dma_wait3A_43 = tpu.memref_slice %arg10[%dma_wait3A_41, %dma_wait3A_42] : memref<64x128xf32, #tpu.memory_space<vmem>> -> memref<8x128xf32, #tpu.memory_space<vmem>>
        tpu.wait_dma2 semaphore(%run_scoped3A : memref<!tpu.dma_semaphore, #tpu.memory_space<semaphore_mem>>) src(%dma_wait3A_43 : memref<8x128xf32, #tpu.memory_space<vmem>>) dst(%dma_wait3A_40 : memref<8x128xf32, #tpu.memory_space<vmem_shared>>)
        tpu.yield
      }) : () -> ()
    }
    %scan3A_11 = arith.constant 79 : i32
    %barrier3A = arith.constant 0 : index
    tpu.barrier barrier_id(%barrier3A)
    %scan3A_12 = arith.constant 0 : i32
    %scan3A_13 = arith.constant 10 : i32
    %scan3A_14 = arith.addi %scan3A_12, %scan3A_13 : i32
    %scan3A_15 = arith.constant 1 : i32
    scf.for %scan3A_18 = %scan3A_12 to %scan3A_14 step %scan3A_15  : i32 {
      %mul3A_19 = arith.constant 1 : i32
      %mul3A_20 = arith.muli %scan3A_18, %mul3A_19 : i32
      %add3A_21 = arith.constant 0 : i32
      %add3A_22 = arith.addi %add3A_21, %mul3A_20 : i32
      %mul3A_23 = arith.constant 16 : i32
      %mul3A_24 = arith.muli %add3A_22, %mul3A_23 : i32
      "tpu.region"() ({
        %run_scoped3A = tpu.sem_alloc : memref<!tpu.dma_semaphore, #tpu.memory_space<semaphore_mem>>
        %dma_start3A = arith.constant 0 : i32
        %dma_start3A_32 = tpu.memref_slice %arg3[%add3A, %mul3A_24, %dma_start3A] : memref<32x160x64xi32, #tpu.memory_space<hbm>> -> memref<1x16x64xi32, #tpu.memory_space<hbm>>
        %dma_start3A_33 = tpu.memref_squeeze %dma_start3A_32 : memref<1x16x64xi32, #tpu.memory_space<hbm>> -> memref<16x64xi32, #tpu.memory_space<hbm>>
        %dma_start3A_34 = arith.constant 0 : i32
        %dma_start3A_35 = tpu.memref_slice %arg3[%add3A, %mul3A_24, %dma_start3A_34] : memref<32x160x64xi32, #tpu.memory_space<hbm>> -> memref<1x16x64xi32, #tpu.memory_space<hbm>>
        %dma_start3A_36 = tpu.memref_squeeze %dma_start3A_35 : memref<1x16x64xi32, #tpu.memory_space<hbm>> -> memref<16x64xi32, #tpu.memory_space<hbm>>
        tpu.enqueue_dma source(%dma_start3A_36 : memref<16x64xi32, #tpu.memory_space<hbm>>) target(%arg6 : memref<16x64xi32, #tpu.memory_space<vmem>>) target_semaphore(%run_scoped3A : memref<!tpu.dma_semaphore, #tpu.memory_space<semaphore_mem>>)
        %dma_wait3A = arith.constant 0 : i32
        %dma_wait3A_37 = tpu.memref_slice %arg3[%add3A, %mul3A_24, %dma_wait3A] : memref<32x160x64xi32, #tpu.memory_space<hbm>> -> memref<1x16x64xi32, #tpu.memory_space<hbm>>
        %dma_wait3A_38 = tpu.memref_squeeze %dma_wait3A_37 : memref<1x16x64xi32, #tpu.memory_space<hbm>> -> memref<16x64xi32, #tpu.memory_space<hbm>>
        %dma_wait3A_39 = arith.constant 0 : i32
        %dma_wait3A_40 = tpu.memref_slice %arg3[%add3A, %mul3A_24, %dma_wait3A_39] : memref<32x160x64xi32, #tpu.memory_space<hbm>> -> memref<1x16x64xi32, #tpu.memory_space<hbm>>
        %dma_wait3A_41 = tpu.memref_squeeze %dma_wait3A_40 : memref<1x16x64xi32, #tpu.memory_space<hbm>> -> memref<16x64xi32, #tpu.memory_space<hbm>>
        tpu.wait_dma2 semaphore(%run_scoped3A : memref<!tpu.dma_semaphore, #tpu.memory_space<semaphore_mem>>) src(%dma_wait3A_41 : memref<16x64xi32, #tpu.memory_space<hbm>>) dst(%arg6 : memref<16x64xi32, #tpu.memory_space<vmem>>)
        tpu.yield
      }) : () -> ()
      %mul3A_25 = arith.constant 16 : i32
      %mul3A_26 = arith.muli %add3A_22, %mul3A_25 : i32
      "tpu.region"() ({
        %run_scoped3A = tpu.sem_alloc : memref<!tpu.dma_semaphore, #tpu.memory_space<semaphore_mem>>
        %dma_start3A = arith.constant 0 : i32
        %dma_start3A_32 = tpu.memref_slice %arg4[%add3A, %mul3A_26, %dma_start3A] : memref<32x160x64xi32, #tpu.memory_space<hbm>> -> memref<1x16x64xi32, #tpu.memory_space<hbm>>
        %dma_start3A_33 = tpu.memref_squeeze %dma_start3A_32 : memref<1x16x64xi32, #tpu.memory_space<hbm>> -> memref<16x64xi32, #tpu.memory_space<hbm>>
        %dma_start3A_34 = arith.constant 0 : i32
        %dma_start3A_35 = tpu.memref_slice %arg4[%add3A, %mul3A_26, %dma_start3A_34] : memref<32x160x64xi32, #tpu.memory_space<hbm>> -> memref<1x16x64xi32, #tpu.memory_space<hbm>>
        %dma_start3A_36 = tpu.memref_squeeze %dma_start3A_35 : memref<1x16x64xi32, #tpu.memory_space<hbm>> -> memref<16x64xi32, #tpu.memory_space<hbm>>
        tpu.enqueue_dma source(%dma_start3A_36 : memref<16x64xi32, #tpu.memory_space<hbm>>) target(%arg7 : memref<16x64xi32, #tpu.memory_space<vmem>>) target_semaphore(%run_scoped3A : memref<!tpu.dma_semaphore, #tpu.memory_space<semaphore_mem>>)
        %dma_wait3A = arith.constant 0 : i32
        %dma_wait3A_37 = tpu.memref_slice %arg4[%add3A, %mul3A_26, %dma_wait3A] : memref<32x160x64xi32, #tpu.memory_space<hbm>> -> memref<1x16x64xi32, #tpu.memory_space<hbm>>
        %dma_wait3A_38 = tpu.memref_squeeze %dma_wait3A_37 : memref<1x16x64xi32, #tpu.memory_space<hbm>> -> memref<16x64xi32, #tpu.memory_space<hbm>>
        %dma_wait3A_39 = arith.constant 0 : i32
        %dma_wait3A_40 = tpu.memref_slice %arg4[%add3A, %mul3A_26, %dma_wait3A_39] : memref<32x160x64xi32, #tpu.memory_space<hbm>> -> memref<1x16x64xi32, #tpu.memory_space<hbm>>
        %dma_wait3A_41 = tpu.memref_squeeze %dma_wait3A_40 : memref<1x16x64xi32, #tpu.memory_space<hbm>> -> memref<16x64xi32, #tpu.memory_space<hbm>>
        tpu.wait_dma2 semaphore(%run_scoped3A : memref<!tpu.dma_semaphore, #tpu.memory_space<semaphore_mem>>) src(%dma_wait3A_41 : memref<16x64xi32, #tpu.memory_space<hbm>>) dst(%arg7 : memref<16x64xi32, #tpu.memory_space<vmem>>)
        tpu.yield
      }) : () -> ()
      %scan3A_27 = arith.constant 0 : i32
      %scan3A_28 = arith.constant 16 : i32
      %scan3A_29 = arith.addi %scan3A_27, %scan3A_28 : i32
      %scan3A_30 = arith.constant 1 : i32
      scf.for %scan3A_32 = %scan3A_27 to %scan3A_29 step %scan3A_30  : i32 {
        %mul3A_33 = arith.constant 1 : i32
        %mul3A_34 = arith.muli %scan3A_32, %mul3A_33 : i32
        %add3A_35 = arith.constant 0 : i32
        %add3A_36 = arith.addi %add3A_35, %mul3A_34 : i32
        "tpu.region"() ({
          %run_scoped3A = tpu.sem_alloc : memref<!tpu.dma_semaphore, #tpu.memory_space<semaphore_mem>>
          %dma_start3A = arith.constant 0 : i32
          %dma_start3A_37 = tpu.memref_slice %arg6[%add3A_36, %dma_start3A] : memref<16x64xi32, #tpu.memory_space<vmem>> -> memref<1x64xi32, #tpu.memory_space<vmem>>
          %dma_start3A_38 = tpu.memref_squeeze %dma_start3A_37 : memref<1x64xi32, #tpu.memory_space<vmem>> -> memref<64xi32, #tpu.memory_space<vmem>>
          %dma_start3A_39 = arith.constant 0 : i32
          %dma_start3A_40 = arith.constant 0 : i32
          %dma_start3A_41 = tpu.memref_slice %arg2[%dma_start3A_39, %dma_start3A_40] : memref<10000x128xf32, #tpu.memory_space<hbm>> -> memref<10000x128xf32, #tpu.memory_space<hbm>>
          tpu.enqueue_indirect_dma source(%dma_start3A_41 : memref<10000x128xf32, #tpu.memory_space<hbm>>) target(%arg10 : memref<64x128xf32, #tpu.memory_space<vmem>>) offsets(%dma_start3A_38 : memref<64xi32, #tpu.memory_space<vmem>>) semaphore(%run_scoped3A : memref<!tpu.dma_semaphore, #tpu.memory_space<semaphore_mem>>)
          %dma_wait3A = arith.constant 0 : i32
          %dma_wait3A_42 = tpu.memref_slice %arg6[%add3A_36, %dma_wait3A] : memref<16x64xi32, #tpu.memory_space<vmem>> -> memref<1x64xi32, #tpu.memory_space<vmem>>
          %dma_wait3A_43 = tpu.memref_squeeze %dma_wait3A_42 : memref<1x64xi32, #tpu.memory_space<vmem>> -> memref<64xi32, #tpu.memory_space<vmem>>
          %dma_wait3A_44 = arith.constant 0 : i32
          %dma_wait3A_45 = arith.constant 0 : i32
          %dma_wait3A_46 = tpu.memref_slice %arg2[%dma_wait3A_44, %dma_wait3A_45] : memref<10000x128xf32, #tpu.memory_space<hbm>> -> memref<10000x128xf32, #tpu.memory_space<hbm>>
          tpu.wait_indirect_dma semaphore(%run_scoped3A : memref<!tpu.dma_semaphore, #tpu.memory_space<semaphore_mem>>) src(%dma_wait3A_46 : memref<10000x128xf32, #tpu.memory_space<hbm>>) dst(%arg10 : memref<64x128xf32, #tpu.memory_space<vmem>>)
          tpu.yield
        }) : () -> ()
        "tpu.region"() ({
          %run_scoped3A = tpu.sem_alloc : memref<!tpu.dma_semaphore, #tpu.memory_space<semaphore_mem>>
          %dma_start3A = arith.constant 0 : i32
          %dma_start3A_37 = tpu.memref_slice %arg7[%add3A_36, %dma_start3A] : memref<16x64xi32, #tpu.memory_space<vmem>> -> memref<1x64xi32, #tpu.memory_space<vmem>>
          %dma_start3A_38 = tpu.memref_squeeze %dma_start3A_37 : memref<1x64xi32, #tpu.memory_space<vmem>> -> memref<64xi32, #tpu.memory_space<vmem>>
          %dma_start3A_39 = arith.constant 0 : i32
          %dma_start3A_40 = arith.constant 0 : i32
          %dma_start3A_41 = tpu.memref_slice %arg14[%dma_start3A_39, %dma_start3A_40] : memref<10112x128xf32, #tpu.memory_space<vmem_shared>> -> memref<10112x128xf32, #tpu.memory_space<vmem_shared>>
          tpu.enqueue_indirect_dma source(%arg10 : memref<64x128xf32, #tpu.memory_space<vmem>>) target(%dma_start3A_41 : memref<10112x128xf32, #tpu.memory_space<vmem_shared>>) offsets(%dma_start3A_38 : memref<64xi32, #tpu.memory_space<vmem>>) semaphore(%run_scoped3A : memref<!tpu.dma_semaphore, #tpu.memory_space<semaphore_mem>>) {add = true}
          %dma_wait3A = arith.constant 0 : i32
          %dma_wait3A_42 = tpu.memref_slice %arg7[%add3A_36, %dma_wait3A] : memref<16x64xi32, #tpu.memory_space<vmem>> -> memref<1x64xi32, #tpu.memory_space<vmem>>
          %dma_wait3A_43 = tpu.memref_squeeze %dma_wait3A_42 : memref<1x64xi32, #tpu.memory_space<vmem>> -> memref<64xi32, #tpu.memory_space<vmem>>
          %dma_wait3A_44 = arith.constant 0 : i32
          %dma_wait3A_45 = arith.constant 0 : i32
          %dma_wait3A_46 = tpu.memref_slice %arg14[%dma_wait3A_44, %dma_wait3A_45] : memref<10112x128xf32, #tpu.memory_space<vmem_shared>> -> memref<10112x128xf32, #tpu.memory_space<vmem_shared>>
          tpu.wait_indirect_dma semaphore(%run_scoped3A : memref<!tpu.dma_semaphore, #tpu.memory_space<semaphore_mem>>) src(%arg10 : memref<64x128xf32, #tpu.memory_space<vmem>>) dst(%dma_wait3A_46 : memref<10112x128xf32, #tpu.memory_space<vmem_shared>>)
          tpu.yield
        }) : () -> ()
      }
      %scan3A_31 = arith.constant 16 : i32
    }
    %scan3A_16 = arith.constant 10 : i32
    %barrier3A_17 = arith.constant 0 : index
    tpu.barrier barrier_id(%barrier3A_17)
    "tpu.region"() ({
      %run_scoped3A = tpu.sem_alloc : memref<!tpu.dma_semaphore, #tpu.memory_space<semaphore_mem>>
      %dma_start3A = arith.constant 0 : i32
      %dma_start3A_18 = tpu.memref_slice %arg5[%arg0, %mul3A_6, %dma_start3A] : memref<2x10112x128xf32, #tpu.memory_space<hbm>> -> memref<1x632x128xf32, #tpu.memory_space<hbm>>
      %dma_start3A_19 = tpu.memref_squeeze %dma_start3A_18 : memref<1x632x128xf32, #tpu.memory_space<hbm>> -> memref<632x128xf32, #tpu.memory_space<hbm>>
      %dma_start3A_20 = arith.constant 0 : i32
      %dma_start3A_21 = tpu.memref_slice %arg14[%mul3A_6, %dma_start3A_20] : memref<10112x128xf32, #tpu.memory_space<vmem_shared>> -> memref<632x128xf32, #tpu.memory_space<vmem_shared>>
      tpu.enqueue_dma source(%dma_start3A_21 : memref<632x128xf32, #tpu.memory_space<vmem_shared>>) target(%dma_start3A_19 : memref<632x128xf32, #tpu.memory_space<hbm>>) target_semaphore(%run_scoped3A : memref<!tpu.dma_semaphore, #tpu.memory_space<semaphore_mem>>)
      %dma_wait3A = arith.constant 0 : i32
      %dma_wait3A_22 = tpu.memref_slice %arg5[%arg0, %mul3A_6, %dma_wait3A] : memref<2x10112x128xf32, #tpu.memory_space<hbm>> -> memref<1x632x128xf32, #tpu.memory_space<hbm>>
      %dma_wait3A_23 = tpu.memref_squeeze %dma_wait3A_22 : memref<1x632x128xf32, #tpu.memory_space<hbm>> -> memref<632x128xf32, #tpu.memory_space<hbm>>
      %dma_wait3A_24 = arith.constant 0 : i32
      %dma_wait3A_25 = tpu.memref_slice %arg14[%mul3A_6, %dma_wait3A_24] : memref<10112x128xf32, #tpu.memory_space<vmem_shared>> -> memref<632x128xf32, #tpu.memory_space<vmem_shared>>
      tpu.wait_dma2 semaphore(%run_scoped3A : memref<!tpu.dma_semaphore, #tpu.memory_space<semaphore_mem>>) src(%dma_wait3A_25 : memref<632x128xf32, #tpu.memory_space<vmem_shared>>) dst(%dma_wait3A_23 : memref<632x128xf32, #tpu.memory_space<hbm>>)
      tpu.yield
    }) : () -> ()
    return
  }
}

#map = affine_map<(d0, d1) -> (0, 0)>
#map1 = affine_map<(d0, d1) -> (0, 0, 0)>
module attributes {stable_mosaic.version = 14 : i64} {
  func.func @_sc_propagate(%arg0: i32, %arg1: i32, %arg2: memref<10000x128xf32, #tpu.memory_space<hbm>>, %arg3: memref<32x160x64xi32, #tpu.memory_space<hbm>>, %arg4: memref<32x160x64xi32, #tpu.memory_space<hbm>>, %arg5: memref<2x10112x128xf32, #tpu.memory_space<hbm>>, %arg6: memref<16x64xi32, #tpu.memory_space<vmem>>, %arg7: memref<16x64xi32, #tpu.memory_space<vmem>>, %arg8: memref<16x64xi32, #tpu.memory_space<vmem>>, %arg9: memref<16x64xi32, #tpu.memory_space<vmem>>, %arg10: memref<64x128xf32, #tpu.memory_space<vmem>>, %arg11: memref<64x128xf32, #tpu.memory_space<vmem>>, %arg12: memref<64x128xf32, #tpu.memory_space<vmem>>, %arg13: memref<64x128xf32, #tpu.memory_space<vmem>>, %arg14: memref<10112x128xf32, #tpu.memory_space<vmem_shared>>, %arg15: memref<!tpu.dma_semaphore, #tpu.memory_space<semaphore_mem>>, %arg16: memref<!tpu.dma_semaphore, #tpu.memory_space<semaphore_mem>>, %arg17: memref<!tpu.dma_semaphore, #tpu.memory_space<semaphore_mem>>, %arg18: memref<!tpu.dma_semaphore, #tpu.memory_space<semaphore_mem>>, %arg19: memref<!tpu.dma_semaphore, #tpu.memory_space<semaphore_mem>>, %arg20: memref<!tpu.dma_semaphore, #tpu.memory_space<semaphore_mem>>, %arg21: memref<!tpu.dma_semaphore, #tpu.memory_space<semaphore_mem>>, %arg22: memref<!tpu.dma_semaphore, #tpu.memory_space<semaphore_mem>>, %arg23: memref<!tpu.dma_semaphore, #tpu.memory_space<semaphore_mem>>, %arg24: memref<!tpu.dma_semaphore, #tpu.memory_space<semaphore_mem>>) attributes {dimension_semantics = [#tpu.dimension_semantics<core_parallel>, #tpu.dimension_semantics<subcore_parallel>], iteration_bounds = array<i64: 2, 16>, scalar_prefetch = 0 : i64, scratch_operands = 19 : i64, tpu.core_type = #tpu.core_type<sc_vector_subcore>, window_params = [{transform_indices = #map}, {transform_indices = #map1}, {transform_indices = #map1}, {transform_indices = #map1}]} {
    %mul3A = arith.constant 16 : i32
    %mul3A_0 = arith.muli %arg0, %mul3A : i32
    %add3A = arith.addi %mul3A_0, %arg1 : i32
    %scan3A = arith.constant 0 : i32
    %scan3A_1 = arith.constant 8 : i32
    %scan3A_2 = arith.addi %scan3A, %scan3A_1 : i32
    %scan3A_3 = arith.constant 1 : i32
    scf.for %scan3A_18 = %scan3A to %scan3A_2 step %scan3A_3  : i32 {
      %mul3A_19 = arith.constant 1 : i32
      %mul3A_20 = arith.muli %scan3A_18, %mul3A_19 : i32
      %add3A_21 = arith.constant 0 : i32
      %add3A_22 = arith.addi %add3A_21, %mul3A_20 : i32
      %broadcast_in_dim3A = arith.constant 0.000000e+00 : f32
      %broadcast_in_dim3A_23 = vector.broadcast %broadcast_in_dim3A : f32 to vector<16xf32>
      %swap3A = arith.index_cast %add3A_22 : i32 to index
      %swap3A_24 = arith.constant 0 : index
      %swap3A_25 = tpu.vector_load %arg10[%swap3A, %swap3A_24] {strides = array<i32>} : memref<64x128xf32, #tpu.memory_space<vmem>>, vector<1x16xf32>,
      %swap3A_26 = vector.shape_cast %swap3A_25 : vector<1x16xf32> to vector<16xf32>
      %swap3A_27 = vector.shape_cast %broadcast_in_dim3A_23 : vector<16xf32> to vector<1x16xf32>
      tpu.vector_store %arg10[%swap3A, %swap3A_24], %swap3A_27 {strides = array<i32>} : memref<64x128xf32, #tpu.memory_space<vmem>>, vector<1x16xf32>,
      %broadcast_in_dim3A_28 = arith.constant 0.000000e+00 : f32
      %broadcast_in_dim3A_29 = vector.broadcast %broadcast_in_dim3A_28 : f32 to vector<16xf32>
      %swap3A_30 = arith.index_cast %add3A_22 : i32 to index
      %swap3A_31 = arith.constant 16 : index
      %swap3A_32 = tpu.vector_load %arg10[%swap3A_30, %swap3A_31] {strides = array<i32>} : memref<64x128xf32, #tpu.memory_space<vmem>>, vector<1x16xf32>,
      %swap3A_33 = vector.shape_cast %swap3A_32 : vector<1x16xf32> to vector<16xf32>
      %swap3A_34 = vector.shape_cast %broadcast_in_dim3A_29 : vector<16xf32> to vector<1x16xf32>
      tpu.vector_store %arg10[%swap3A_30, %swap3A_31], %swap3A_34 {strides = array<i32>} : memref<64x128xf32, #tpu.memory_space<vmem>>, vector<1x16xf32>,
      %broadcast_in_dim3A_35 = arith.constant 0.000000e+00 : f32
      %broadcast_in_dim3A_36 = vector.broadcast %broadcast_in_dim3A_35 : f32 to vector<16xf32>
      %swap3A_37 = arith.index_cast %add3A_22 : i32 to index
      %swap3A_38 = arith.constant 32 : index
      %swap3A_39 = tpu.vector_load %arg10[%swap3A_37, %swap3A_38] {strides = array<i32>} : memref<64x128xf32, #tpu.memory_space<vmem>>, vector<1x16xf32>,
      %swap3A_40 = vector.shape_cast %swap3A_39 : vector<1x16xf32> to vector<16xf32>
      %swap3A_41 = vector.shape_cast %broadcast_in_dim3A_36 : vector<16xf32> to vector<1x16xf32>
      tpu.vector_store %arg10[%swap3A_37, %swap3A_38], %swap3A_41 {strides = array<i32>} : memref<64x128xf32, #tpu.memory_space<vmem>>, vector<1x16xf32>,
      %broadcast_in_dim3A_42 = arith.constant 0.000000e+00 : f32
      %broadcast_in_dim3A_43 = vector.broadcast %broadcast_in_dim3A_42 : f32 to vector<16xf32>
      %swap3A_44 = arith.index_cast %add3A_22 : i32 to index
      %swap3A_45 = arith.constant 48 : index
      %swap3A_46 = tpu.vector_load %arg10[%swap3A_44, %swap3A_45] {strides = array<i32>} : memref<64x128xf32, #tpu.memory_space<vmem>>, vector<1x16xf32>,
      %swap3A_47 = vector.shape_cast %swap3A_46 : vector<1x16xf32> to vector<16xf32>
      %swap3A_48 = vector.shape_cast %broadcast_in_dim3A_43 : vector<16xf32> to vector<1x16xf32>
      tpu.vector_store %arg10[%swap3A_44, %swap3A_45], %swap3A_48 {strides = array<i32>} : memref<64x128xf32, #tpu.memory_space<vmem>>, vector<1x16xf32>,
      %broadcast_in_dim3A_49 = arith.constant 0.000000e+00 : f32
      %broadcast_in_dim3A_50 = vector.broadcast %broadcast_in_dim3A_49 : f32 to vector<16xf32>
      %swap3A_51 = arith.index_cast %add3A_22 : i32 to index
      %swap3A_52 = arith.constant 64 : index
      %swap3A_53 = tpu.vector_load %arg10[%swap3A_51, %swap3A_52] {strides = array<i32>} : memref<64x128xf32, #tpu.memory_space<vmem>>, vector<1x16xf32>,
      %swap3A_54 = vector.shape_cast %swap3A_53 : vector<1x16xf32> to vector<16xf32>
      %swap3A_55 = vector.shape_cast %broadcast_in_dim3A_50 : vector<16xf32> to vector<1x16xf32>
      tpu.vector_store %arg10[%swap3A_51, %swap3A_52], %swap3A_55 {strides = array<i32>} : memref<64x128xf32, #tpu.memory_space<vmem>>, vector<1x16xf32>,
      %broadcast_in_dim3A_56 = arith.constant 0.000000e+00 : f32
      %broadcast_in_dim3A_57 = vector.broadcast %broadcast_in_dim3A_56 : f32 to vector<16xf32>
      %swap3A_58 = arith.index_cast %add3A_22 : i32 to index
      %swap3A_59 = arith.constant 80 : index
      %swap3A_60 = tpu.vector_load %arg10[%swap3A_58, %swap3A_59] {strides = array<i32>} : memref<64x128xf32, #tpu.memory_space<vmem>>, vector<1x16xf32>,
      %swap3A_61 = vector.shape_cast %swap3A_60 : vector<1x16xf32> to vector<16xf32>
      %swap3A_62 = vector.shape_cast %broadcast_in_dim3A_57 : vector<16xf32> to vector<1x16xf32>
      tpu.vector_store %arg10[%swap3A_58, %swap3A_59], %swap3A_62 {strides = array<i32>} : memref<64x128xf32, #tpu.memory_space<vmem>>, vector<1x16xf32>,
      %broadcast_in_dim3A_63 = arith.constant 0.000000e+00 : f32
      %broadcast_in_dim3A_64 = vector.broadcast %broadcast_in_dim3A_63 : f32 to vector<16xf32>
      %swap3A_65 = arith.index_cast %add3A_22 : i32 to index
      %swap3A_66 = arith.constant 96 : index
      %swap3A_67 = tpu.vector_load %arg10[%swap3A_65, %swap3A_66] {strides = array<i32>} : memref<64x128xf32, #tpu.memory_space<vmem>>, vector<1x16xf32>,
      %swap3A_68 = vector.shape_cast %swap3A_67 : vector<1x16xf32> to vector<16xf32>
      %swap3A_69 = vector.shape_cast %broadcast_in_dim3A_64 : vector<16xf32> to vector<1x16xf32>
      tpu.vector_store %arg10[%swap3A_65, %swap3A_66], %swap3A_69 {strides = array<i32>} : memref<64x128xf32, #tpu.memory_space<vmem>>, vector<1x16xf32>,
      %broadcast_in_dim3A_70 = arith.constant 0.000000e+00 : f32
      %broadcast_in_dim3A_71 = vector.broadcast %broadcast_in_dim3A_70 : f32 to vector<16xf32>
      %swap3A_72 = arith.index_cast %add3A_22 : i32 to index
      %swap3A_73 = arith.constant 112 : index
      %swap3A_74 = tpu.vector_load %arg10[%swap3A_72, %swap3A_73] {strides = array<i32>} : memref<64x128xf32, #tpu.memory_space<vmem>>, vector<1x16xf32>,
      %swap3A_75 = vector.shape_cast %swap3A_74 : vector<1x16xf32> to vector<16xf32>
      %swap3A_76 = vector.shape_cast %broadcast_in_dim3A_71 : vector<16xf32> to vector<1x16xf32>
      tpu.vector_store %arg10[%swap3A_72, %swap3A_73], %swap3A_76 {strides = array<i32>} : memref<64x128xf32, #tpu.memory_space<vmem>>, vector<1x16xf32>,
    }
    %scan3A_4 = arith.constant 8 : i32
    %mul3A_5 = arith.constant 632 : i32
    %mul3A_6 = arith.muli %arg1, %mul3A_5 : i32
    %scan3A_7 = arith.constant 0 : i32
    %scan3A_8 = arith.constant 79 : i32
    %scan3A_9 = arith.addi %scan3A_7, %scan3A_8 : i32
    %scan3A_10 = arith.constant 1 : i32
    scf.for %scan3A_18 = %scan3A_7 to %scan3A_9 step %scan3A_10  : i32 {
      %mul3A_19 = arith.constant 1 : i32
      %mul3A_20 = arith.muli %scan3A_18, %mul3A_19 : i32
      %add3A_21 = arith.constant 0 : i32
      %add3A_22 = arith.addi %add3A_21, %mul3A_20 : i32
      %mul3A_23 = arith.constant 8 : i32
      %mul3A_24 = arith.muli %add3A_22, %mul3A_23 : i32
      %add3A_25 = arith.addi %mul3A_6, %mul3A_24 : i32
      "tpu.region"() ({
        %run_scoped3A = tpu.sem_alloc : memref<!tpu.dma_semaphore, #tpu.memory_space<semaphore_mem>>
        %dma_start3A = arith.constant 0 : i32
        %dma_start3A_26 = arith.constant 0 : i32
        %dma_start3A_27 = tpu.memref_slice %arg10[%dma_start3A, %dma_start3A_26] : memref<64x128xf32, #tpu.memory_space<vmem>> -> memref<8x128xf32, #tpu.memory_space<vmem>>
        %dma_start3A_28 = arith.constant 0 : i32
        %dma_start3A_29 = tpu.memref_slice %arg14[%add3A_25, %dma_start3A_28] : memref<10112x128xf32, #tpu.memory_space<vmem_shared>> -> memref<8x128xf32, #tpu.memory_space<vmem_shared>>
        %dma_start3A_30 = arith.constant 0 : i32
        %dma_start3A_31 = tpu.memref_slice %arg14[%add3A_25, %dma_start3A_30] : memref<10112x128xf32, #tpu.memory_space<vmem_shared>> -> memref<8x128xf32, #tpu.memory_space<vmem_shared>>
        %dma_start3A_32 = arith.constant 0 : i32
        %dma_start3A_33 = arith.constant 0 : i32
        %dma_start3A_34 = tpu.memref_slice %arg10[%dma_start3A_32, %dma_start3A_33] : memref<64x128xf32, #tpu.memory_space<vmem>> -> memref<8x128xf32, #tpu.memory_space<vmem>>
        tpu.enqueue_dma source(%dma_start3A_34 : memref<8x128xf32, #tpu.memory_space<vmem>>) target(%dma_start3A_31 : memref<8x128xf32, #tpu.memory_space<vmem_shared>>) target_semaphore(%run_scoped3A : memref<!tpu.dma_semaphore, #tpu.memory_space<semaphore_mem>>)
        %dma_wait3A = arith.constant 0 : i32
        %dma_wait3A_35 = arith.constant 0 : i32
        %dma_wait3A_36 = tpu.memref_slice %arg10[%dma_wait3A, %dma_wait3A_35] : memref<64x128xf32, #tpu.memory_space<vmem>> -> memref<8x128xf32, #tpu.memory_space<vmem>>
        %dma_wait3A_37 = arith.constant 0 : i32
        %dma_wait3A_38 = tpu.memref_slice %arg14[%add3A_25, %dma_wait3A_37] : memref<10112x128xf32, #tpu.memory_space<vmem_shared>> -> memref<8x128xf32, #tpu.memory_space<vmem_shared>>
        %dma_wait3A_39 = arith.constant 0 : i32
        %dma_wait3A_40 = tpu.memref_slice %arg14[%add3A_25, %dma_wait3A_39] : memref<10112x128xf32, #tpu.memory_space<vmem_shared>> -> memref<8x128xf32, #tpu.memory_space<vmem_shared>>
        %dma_wait3A_41 = arith.constant 0 : i32
        %dma_wait3A_42 = arith.constant 0 : i32
        %dma_wait3A_43 = tpu.memref_slice %arg10[%dma_wait3A_41, %dma_wait3A_42] : memref<64x128xf32, #tpu.memory_space<vmem>> -> memref<8x128xf32, #tpu.memory_space<vmem>>
        tpu.wait_dma2 semaphore(%run_scoped3A : memref<!tpu.dma_semaphore, #tpu.memory_space<semaphore_mem>>) src(%dma_wait3A_43 : memref<8x128xf32, #tpu.memory_space<vmem>>) dst(%dma_wait3A_40 : memref<8x128xf32, #tpu.memory_space<vmem_shared>>)
        tpu.yield
      }) : () -> ()
    }
    %scan3A_11 = arith.constant 79 : i32
    %barrier3A = arith.constant 0 : index
    tpu.barrier barrier_id(%barrier3A)
    %scan3A_12 = arith.constant 0 : i32
    %scan3A_13 = arith.constant 10 : i32
    %scan3A_14 = arith.addi %scan3A_12, %scan3A_13 : i32
    %scan3A_15 = arith.constant 1 : i32
    scf.for %scan3A_18 = %scan3A_12 to %scan3A_14 step %scan3A_15  : i32 {
      %mul3A_19 = arith.constant 1 : i32
      %mul3A_20 = arith.muli %scan3A_18, %mul3A_19 : i32
      %add3A_21 = arith.constant 0 : i32
      %add3A_22 = arith.addi %add3A_21, %mul3A_20 : i32
      %mul3A_23 = arith.constant 16 : i32
      %mul3A_24 = arith.muli %add3A_22, %mul3A_23 : i32
      "tpu.region"() ({
        %run_scoped3A = tpu.sem_alloc : memref<!tpu.dma_semaphore, #tpu.memory_space<semaphore_mem>>
        %dma_start3A = arith.constant 0 : i32
        %dma_start3A_32 = tpu.memref_slice %arg3[%add3A, %mul3A_24, %dma_start3A] : memref<32x160x64xi32, #tpu.memory_space<hbm>> -> memref<1x16x64xi32, #tpu.memory_space<hbm>>
        %dma_start3A_33 = tpu.memref_squeeze %dma_start3A_32 : memref<1x16x64xi32, #tpu.memory_space<hbm>> -> memref<16x64xi32, #tpu.memory_space<hbm>>
        %dma_start3A_34 = arith.constant 0 : i32
        %dma_start3A_35 = tpu.memref_slice %arg3[%add3A, %mul3A_24, %dma_start3A_34] : memref<32x160x64xi32, #tpu.memory_space<hbm>> -> memref<1x16x64xi32, #tpu.memory_space<hbm>>
        %dma_start3A_36 = tpu.memref_squeeze %dma_start3A_35 : memref<1x16x64xi32, #tpu.memory_space<hbm>> -> memref<16x64xi32, #tpu.memory_space<hbm>>
        tpu.enqueue_dma source(%dma_start3A_36 : memref<16x64xi32, #tpu.memory_space<hbm>>) target(%arg6 : memref<16x64xi32, #tpu.memory_space<vmem>>) target_semaphore(%run_scoped3A : memref<!tpu.dma_semaphore, #tpu.memory_space<semaphore_mem>>)
        %dma_wait3A = arith.constant 0 : i32
        %dma_wait3A_37 = tpu.memref_slice %arg3[%add3A, %mul3A_24, %dma_wait3A] : memref<32x160x64xi32, #tpu.memory_space<hbm>> -> memref<1x16x64xi32, #tpu.memory_space<hbm>>
        %dma_wait3A_38 = tpu.memref_squeeze %dma_wait3A_37 : memref<1x16x64xi32, #tpu.memory_space<hbm>> -> memref<16x64xi32, #tpu.memory_space<hbm>>
        %dma_wait3A_39 = arith.constant 0 : i32
        %dma_wait3A_40 = tpu.memref_slice %arg3[%add3A, %mul3A_24, %dma_wait3A_39] : memref<32x160x64xi32, #tpu.memory_space<hbm>> -> memref<1x16x64xi32, #tpu.memory_space<hbm>>
        %dma_wait3A_41 = tpu.memref_squeeze %dma_wait3A_40 : memref<1x16x64xi32, #tpu.memory_space<hbm>> -> memref<16x64xi32, #tpu.memory_space<hbm>>
        tpu.wait_dma2 semaphore(%run_scoped3A : memref<!tpu.dma_semaphore, #tpu.memory_space<semaphore_mem>>) src(%dma_wait3A_41 : memref<16x64xi32, #tpu.memory_space<hbm>>) dst(%arg6 : memref<16x64xi32, #tpu.memory_space<vmem>>)
        tpu.yield
      }) : () -> ()
      %mul3A_25 = arith.constant 16 : i32
      %mul3A_26 = arith.muli %add3A_22, %mul3A_25 : i32
      "tpu.region"() ({
        %run_scoped3A = tpu.sem_alloc : memref<!tpu.dma_semaphore, #tpu.memory_space<semaphore_mem>>
        %dma_start3A = arith.constant 0 : i32
        %dma_start3A_32 = tpu.memref_slice %arg4[%add3A, %mul3A_26, %dma_start3A] : memref<32x160x64xi32, #tpu.memory_space<hbm>> -> memref<1x16x64xi32, #tpu.memory_space<hbm>>
        %dma_start3A_33 = tpu.memref_squeeze %dma_start3A_32 : memref<1x16x64xi32, #tpu.memory_space<hbm>> -> memref<16x64xi32, #tpu.memory_space<hbm>>
        %dma_start3A_34 = arith.constant 0 : i32
        %dma_start3A_35 = tpu.memref_slice %arg4[%add3A, %mul3A_26, %dma_start3A_34] : memref<32x160x64xi32, #tpu.memory_space<hbm>> -> memref<1x16x64xi32, #tpu.memory_space<hbm>>
        %dma_start3A_36 = tpu.memref_squeeze %dma_start3A_35 : memref<1x16x64xi32, #tpu.memory_space<hbm>> -> memref<16x64xi32, #tpu.memory_space<hbm>>
        tpu.enqueue_dma source(%dma_start3A_36 : memref<16x64xi32, #tpu.memory_space<hbm>>) target(%arg7 : memref<16x64xi32, #tpu.memory_space<vmem>>) target_semaphore(%run_scoped3A : memref<!tpu.dma_semaphore, #tpu.memory_space<semaphore_mem>>)
        %dma_wait3A = arith.constant 0 : i32
        %dma_wait3A_37 = tpu.memref_slice %arg4[%add3A, %mul3A_26, %dma_wait3A] : memref<32x160x64xi32, #tpu.memory_space<hbm>> -> memref<1x16x64xi32, #tpu.memory_space<hbm>>
        %dma_wait3A_38 = tpu.memref_squeeze %dma_wait3A_37 : memref<1x16x64xi32, #tpu.memory_space<hbm>> -> memref<16x64xi32, #tpu.memory_space<hbm>>
        %dma_wait3A_39 = arith.constant 0 : i32
        %dma_wait3A_40 = tpu.memref_slice %arg4[%add3A, %mul3A_26, %dma_wait3A_39] : memref<32x160x64xi32, #tpu.memory_space<hbm>> -> memref<1x16x64xi32, #tpu.memory_space<hbm>>
        %dma_wait3A_41 = tpu.memref_squeeze %dma_wait3A_40 : memref<1x16x64xi32, #tpu.memory_space<hbm>> -> memref<16x64xi32, #tpu.memory_space<hbm>>
        tpu.wait_dma2 semaphore(%run_scoped3A : memref<!tpu.dma_semaphore, #tpu.memory_space<semaphore_mem>>) src(%dma_wait3A_41 : memref<16x64xi32, #tpu.memory_space<hbm>>) dst(%arg7 : memref<16x64xi32, #tpu.memory_space<vmem>>)
        tpu.yield
      }) : () -> ()
      %scan3A_27 = arith.constant 0 : i32
      %scan3A_28 = arith.constant 16 : i32
      %scan3A_29 = arith.addi %scan3A_27, %scan3A_28 : i32
      %scan3A_30 = arith.constant 1 : i32
      scf.for %scan3A_32 = %scan3A_27 to %scan3A_29 step %scan3A_30  : i32 {
        %mul3A_33 = arith.constant 1 : i32
        %mul3A_34 = arith.muli %scan3A_32, %mul3A_33 : i32
        %add3A_35 = arith.constant 0 : i32
        %add3A_36 = arith.addi %add3A_35, %mul3A_34 : i32
        "tpu.region"() ({
          %run_scoped3A = tpu.sem_alloc : memref<!tpu.dma_semaphore, #tpu.memory_space<semaphore_mem>>
          %dma_start3A = arith.constant 0 : i32
          %dma_start3A_37 = tpu.memref_slice %arg6[%add3A_36, %dma_start3A] : memref<16x64xi32, #tpu.memory_space<vmem>> -> memref<1x64xi32, #tpu.memory_space<vmem>>
          %dma_start3A_38 = tpu.memref_squeeze %dma_start3A_37 : memref<1x64xi32, #tpu.memory_space<vmem>> -> memref<64xi32, #tpu.memory_space<vmem>>
          %dma_start3A_39 = arith.constant 0 : i32
          %dma_start3A_40 = arith.constant 0 : i32
          %dma_start3A_41 = tpu.memref_slice %arg2[%dma_start3A_39, %dma_start3A_40] : memref<10000x128xf32, #tpu.memory_space<hbm>> -> memref<10000x128xf32, #tpu.memory_space<hbm>>
          tpu.enqueue_indirect_dma source(%dma_start3A_41 : memref<10000x128xf32, #tpu.memory_space<hbm>>) target(%arg10 : memref<64x128xf32, #tpu.memory_space<vmem>>) offsets(%dma_start3A_38 : memref<64xi32, #tpu.memory_space<vmem>>) semaphore(%run_scoped3A : memref<!tpu.dma_semaphore, #tpu.memory_space<semaphore_mem>>)
          %dma_wait3A = arith.constant 0 : i32
          %dma_wait3A_42 = tpu.memref_slice %arg6[%add3A_36, %dma_wait3A] : memref<16x64xi32, #tpu.memory_space<vmem>> -> memref<1x64xi32, #tpu.memory_space<vmem>>
          %dma_wait3A_43 = tpu.memref_squeeze %dma_wait3A_42 : memref<1x64xi32, #tpu.memory_space<vmem>> -> memref<64xi32, #tpu.memory_space<vmem>>
          %dma_wait3A_44 = arith.constant 0 : i32
          %dma_wait3A_45 = arith.constant 0 : i32
          %dma_wait3A_46 = tpu.memref_slice %arg2[%dma_wait3A_44, %dma_wait3A_45] : memref<10000x128xf32, #tpu.memory_space<hbm>> -> memref<10000x128xf32, #tpu.memory_space<hbm>>
          tpu.wait_indirect_dma semaphore(%run_scoped3A : memref<!tpu.dma_semaphore, #tpu.memory_space<semaphore_mem>>) src(%dma_wait3A_46 : memref<10000x128xf32, #tpu.memory_space<hbm>>) dst(%arg10 : memref<64x128xf32, #tpu.memory_space<vmem>>)
          tpu.yield
        }) : () -> ()
        "tpu.region"() ({
          %run_scoped3A = tpu.sem_alloc : memref<!tpu.dma_semaphore, #tpu.memory_space<semaphore_mem>>
          %dma_start3A = arith.constant 0 : i32
          %dma_start3A_37 = tpu.memref_slice %arg7[%add3A_36, %dma_start3A] : memref<16x64xi32, #tpu.memory_space<vmem>> -> memref<1x64xi32, #tpu.memory_space<vmem>>
          %dma_start3A_38 = tpu.memref_squeeze %dma_start3A_37 : memref<1x64xi32, #tpu.memory_space<vmem>> -> memref<64xi32, #tpu.memory_space<vmem>>
          %dma_start3A_39 = arith.constant 0 : i32
          %dma_start3A_40 = arith.constant 0 : i32
          %dma_start3A_41 = tpu.memref_slice %arg14[%dma_start3A_39, %dma_start3A_40] : memref<10112x128xf32, #tpu.memory_space<vmem_shared>> -> memref<10112x128xf32, #tpu.memory_space<vmem_shared>>
          tpu.enqueue_indirect_dma source(%arg10 : memref<64x128xf32, #tpu.memory_space<vmem>>) target(%dma_start3A_41 : memref<10112x128xf32, #tpu.memory_space<vmem_shared>>) offsets(%dma_start3A_38 : memref<64xi32, #tpu.memory_space<vmem>>) semaphore(%run_scoped3A : memref<!tpu.dma_semaphore, #tpu.memory_space<semaphore_mem>>) {add = true}
          %dma_wait3A = arith.constant 0 : i32
          %dma_wait3A_42 = tpu.memref_slice %arg7[%add3A_36, %dma_wait3A] : memref<16x64xi32, #tpu.memory_space<vmem>> -> memref<1x64xi32, #tpu.memory_space<vmem>>
          %dma_wait3A_43 = tpu.memref_squeeze %dma_wait3A_42 : memref<1x64xi32, #tpu.memory_space<vmem>> -> memref<64xi32, #tpu.memory_space<vmem>>
          %dma_wait3A_44 = arith.constant 0 : i32
          %dma_wait3A_45 = arith.constant 0 : i32
          %dma_wait3A_46 = tpu.memref_slice %arg14[%dma_wait3A_44, %dma_wait3A_45] : memref<10112x128xf32, #tpu.memory_space<vmem_shared>> -> memref<10112x128xf32, #tpu.memory_space<vmem_shared>>
          tpu.wait_indirect_dma semaphore(%run_scoped3A : memref<!tpu.dma_semaphore, #tpu.memory_space<semaphore_mem>>) src(%arg10 : memref<64x128xf32, #tpu.memory_space<vmem>>) dst(%dma_wait3A_46 : memref<10112x128xf32, #tpu.memory_space<vmem_shared>>)
          tpu.yield
        }) : () -> ()
      }
      %scan3A_31 = arith.constant 16 : i32
    }
    %scan3A_16 = arith.constant 10 : i32
    %barrier3A_17 = arith.constant 0 : index
    tpu.barrier barrier_id(%barrier3A_17)
    "tpu.region"() ({
      %run_scoped3A = tpu.sem_alloc : memref<!tpu.dma_semaphore, #tpu.memory_space<semaphore_mem>>
      %dma_start3A = arith.constant 0 : i32
      %dma_start3A_18 = tpu.memref_slice %arg5[%arg0, %mul3A_6, %dma_start3A] : memref<2x10112x128xf32, #tpu.memory_space<hbm>> -> memref<1x632x128xf32, #tpu.memory_space<hbm>>
      %dma_start3A_19 = tpu.memref_squeeze %dma_start3A_18 : memref<1x632x128xf32, #tpu.memory_space<hbm>> -> memref<632x128xf32, #tpu.memory_space<hbm>>
      %dma_start3A_20 = arith.constant 0 : i32
      %dma_start3A_21 = tpu.memref_slice %arg14[%mul3A_6, %dma_start3A_20] : memref<10112x128xf32, #tpu.memory_space<vmem_shared>> -> memref<632x128xf32, #tpu.memory_space<vmem_shared>>
      tpu.enqueue_dma source(%dma_start3A_21 : memref<632x128xf32, #tpu.memory_space<vmem_shared>>) target(%dma_start3A_19 : memref<632x128xf32, #tpu.memory_space<hbm>>) target_semaphore(%run_scoped3A : memref<!tpu.dma_semaphore, #tpu.memory_space<semaphore_mem>>)
      %dma_wait3A = arith.constant 0 : i32
      %dma_wait3A_22 = tpu.memref_slice %arg5[%arg0, %mul3A_6, %dma_wait3A] : memref<2x10112x128xf32, #tpu.memory_space<hbm>> -> memref<1x632x128xf32, #tpu.memory_space<hbm>>
      %dma_wait3A_23 = tpu.memref_squeeze %dma_wait3A_22 : memref<1x632x128xf32, #tpu.memory_space<hbm>> -> memref<632x128xf32, #tpu.memory_space<hbm>>
      %dma_wait3A_24 = arith.constant 0 : i32
      %dma_wait3A_25 = tpu.memref_slice %arg14[%mul3A_6, %dma_wait3A_24] : memref<10112x128xf32, #tpu.memory_space<vmem_shared>> -> memref<632x128xf32, #tpu.memory_space<vmem_shared>>
      tpu.wait_dma2 semaphore(%run_scoped3A : memref<!tpu.dma_semaphore, #tpu.memory_space<semaphore_mem>>) src(%dma_wait3A_25 : memref<632x128xf32, #tpu.memory_space<vmem_shared>>) dst(%dma_wait3A_23 : memref<632x128xf32, #tpu.memory_space<hbm>>)
      tpu.yield
    }) : () -> ()
    return
  }
}

module attributes {stable_mosaic.version = 14 : i64} {
  func.func @_tc_first_body(%arg0: memref<10000x128xf32, #tpu.memory_space<vmem>>, %arg1: memref<128x128xf32, #tpu.memory_space<vmem>>, %arg2: memref<2x10112x16xf32, #tpu.memory_space<vmem>>, %arg3: memref<10000x128xf32, #tpu.memory_space<vmem>>, %arg4: memref<10000x1xf32, #tpu.memory_space<vmem>>) attributes {dimension_semantics = [], scalar_prefetch = 0 : i64, scratch_operands = 0 : i64, tpu.core_type = #tpu.core_type<tc>} {
    %get3A = arith.constant 0 : index
    %get3A_0 = arith.constant 0 : index
    %get3A_1 = arith.constant 0 : index
    %get3A_2 = vector.load %arg2[%get3A, %get3A_0, %get3A_1] : memref<2x10112x16xf32, #tpu.memory_space<vmem>>, vector<2x10112x16xf32>
    %slice3A = vector.extract_strided_slice %get3A_2 {offsets = [0, 0, 0], sizes = [1, 10000, 1], strides = [1, 1, 1]} : vector<2x10112x16xf32> to vector<1x10000x1xf32>
    %squeeze3A = vector.shape_cast %slice3A : vector<1x10000x1xf32> to vector<10000x1xf32>
    %slice3A_3 = vector.extract_strided_slice %get3A_2 {offsets = [1, 0, 0], sizes = [1, 10000, 1], strides = [1, 1, 1]} : vector<2x10112x16xf32> to vector<1x10000x1xf32>
    %squeeze3A_4 = vector.shape_cast %slice3A_3 : vector<1x10000x1xf32> to vector<10000x1xf32>
    %add3A = arith.addf %squeeze3A, %squeeze3A_4 : vector<10000x1xf32>
    %add3A_5 = arith.constant 1.000000e+00 : f32
    %add3A_6 = vector.broadcast %add3A_5 : f32 to vector<10000x1xf32>
    %add3A_7 = arith.addf %add3A, %add3A_6 : vector<10000x1xf32>
    %rsqrt3A = math.rsqrt %add3A_7 : vector<10000x1xf32>
    %get3A_8 = arith.constant 0 : index
    %get3A_9 = arith.constant 0 : index
    %get3A_10 = vector.load %arg0[%get3A_8, %get3A_9] : memref<10000x128xf32, #tpu.memory_space<vmem>>, vector<10000x128xf32>
    %get3A_11 = arith.constant 0 : index
    %get3A_12 = arith.constant 0 : index
    %get3A_13 = vector.load %arg1[%get3A_11, %get3A_12] : memref<128x128xf32, #tpu.memory_space<vmem>>, vector<128x128xf32>
    %dot_general3A = arith.constant dense<0.000000e+00> : vector<10000x128xf32>
    %dot_general3A_14 = tpu.matmul %get3A_10, %get3A_13, %dot_general3A {dimension_numbers = #tpu.dot_dimension_numbers<[1], [0], [0], [1], [0, 0, 1, 1], [], []>, transpose_lhs_hint = false} : vector<10000x128xf32>, vector<128x128xf32>, vector<10000x128xf32> -> vector<10000x128xf32>
    %mul3A = vector.broadcast %rsqrt3A : vector<10000x1xf32> to vector<10000x128xf32>
    %mul3A_15 = arith.mulf %dot_general3A_14, %mul3A : vector<10000x128xf32>
    %swap3A = arith.constant 0 : index
    %swap3A_16 = arith.constant 0 : index
    %swap3A_17 = vector.load %arg3[%swap3A, %swap3A_16] : memref<10000x128xf32, #tpu.memory_space<vmem>>, vector<10000x128xf32>
    tpu.vector_store %arg3[%swap3A, %swap3A_16], %mul3A_15 {strides = array<i32>} : memref<10000x128xf32, #tpu.memory_space<vmem>>, vector<10000x128xf32>,
    %swap3A_18 = arith.constant 0 : index
    %swap3A_19 = arith.constant 0 : index
    %swap3A_20 = vector.load %arg4[%swap3A_18, %swap3A_19] : memref<10000x1xf32, #tpu.memory_space<vmem>>, vector<10000x1xf32>
    tpu.vector_store %arg4[%swap3A_18, %swap3A_19], %rsqrt3A {strides = array<i32>} : memref<10000x1xf32, #tpu.memory_space<vmem>>, vector<10000x1xf32>,
    return
  }
}

module attributes {stable_mosaic.version = 14 : i64} {
  func.func @_tc_mid_body(%arg0: memref<2x10112x128xf32, #tpu.memory_space<vmem>>, %arg1: memref<10000x128xf32, #tpu.memory_space<vmem>>, %arg2: memref<10000x1xf32, #tpu.memory_space<vmem>>, %arg3: memref<1x128xf32, #tpu.memory_space<vmem>>, %arg4: memref<128x128xf32, #tpu.memory_space<vmem>>, %arg5: memref<10000x128xf32, #tpu.memory_space<vmem>>) attributes {dimension_semantics = [], scalar_prefetch = 0 : i64, scratch_operands = 0 : i64, tpu.core_type = #tpu.core_type<tc>} {
    %get3A = arith.constant 0 : index
    %get3A_0 = arith.constant 0 : index
    %get3A_1 = arith.constant 0 : index
    %get3A_2 = vector.load %arg0[%get3A, %get3A_0, %get3A_1] : memref<2x10112x128xf32, #tpu.memory_space<vmem>>, vector<1x10000x128xf32>
    %get3A_3 = vector.shape_cast %get3A_2 : vector<1x10000x128xf32> to vector<10000x128xf32>
    %get3A_4 = arith.constant 1 : index
    %get3A_5 = arith.constant 0 : index
    %get3A_6 = arith.constant 0 : index
    %get3A_7 = vector.load %arg0[%get3A_4, %get3A_5, %get3A_6] : memref<2x10112x128xf32, #tpu.memory_space<vmem>>, vector<1x10000x128xf32>
    %get3A_8 = vector.shape_cast %get3A_7 : vector<1x10000x128xf32> to vector<10000x128xf32>
    %add3A = arith.addf %get3A_3, %get3A_8 : vector<10000x128xf32>
    %get3A_9 = arith.constant 0 : index
    %get3A_10 = arith.constant 0 : index
    %get3A_11 = vector.load %arg1[%get3A_9, %get3A_10] : memref<10000x128xf32, #tpu.memory_space<vmem>>, vector<10000x128xf32>
    %add3A_12 = arith.addf %add3A, %get3A_11 : vector<10000x128xf32>
    %get3A_13 = arith.constant 0 : index
    %get3A_14 = arith.constant 0 : index
    %get3A_15 = vector.load %arg2[%get3A_13, %get3A_14] : memref<10000x1xf32, #tpu.memory_space<vmem>>, vector<10000x1xf32>
    %mul3A = vector.broadcast %get3A_15 : vector<10000x1xf32> to vector<10000x128xf32>
    %mul3A_16 = arith.mulf %add3A_12, %mul3A : vector<10000x128xf32>
    %get3A_17 = arith.constant 0 : index
    %get3A_18 = arith.constant 0 : index
    %get3A_19 = vector.load %arg3[%get3A_17, %get3A_18] : memref<1x128xf32, #tpu.memory_space<vmem>>, vector<1x128xf32>
    %add3A_20 = vector.broadcast %get3A_19 : vector<1x128xf32> to vector<10000x128xf32>
    %add3A_21 = arith.addf %mul3A_16, %add3A_20 : vector<10000x128xf32>
    %max3A = arith.constant 0.000000e+00 : f32
    %max3A_22 = vector.broadcast %max3A : f32 to vector<10000x128xf32>
    %max3A_23 = arith.maximumf %add3A_21, %max3A_22 : vector<10000x128xf32>
    %get3A_24 = arith.constant 0 : index
    %get3A_25 = arith.constant 0 : index
    %get3A_26 = vector.load %arg4[%get3A_24, %get3A_25] : memref<128x128xf32, #tpu.memory_space<vmem>>, vector<128x128xf32>
    %dot_general3A = arith.constant dense<0.000000e+00> : vector<10000x128xf32>
    %dot_general3A_27 = tpu.matmul %max3A_23, %get3A_26, %dot_general3A {dimension_numbers = #tpu.dot_dimension_numbers<[1], [0], [0], [1], [0, 0, 1, 1], [], []>, transpose_lhs_hint = false} : vector<10000x128xf32>, vector<128x128xf32>, vector<10000x128xf32> -> vector<10000x128xf32>
    %mul3A_28 = vector.broadcast %get3A_15 : vector<10000x1xf32> to vector<10000x128xf32>
    %mul3A_29 = arith.mulf %dot_general3A_27, %mul3A_28 : vector<10000x128xf32>
    %swap3A = arith.constant 0 : index
    %swap3A_30 = arith.constant 0 : index
    %swap3A_31 = vector.load %arg5[%swap3A, %swap3A_30] : memref<10000x128xf32, #tpu.memory_space<vmem>>, vector<10000x128xf32>
    tpu.vector_store %arg5[%swap3A, %swap3A_30], %mul3A_29 {strides = array<i32>} : memref<10000x128xf32, #tpu.memory_space<vmem>>, vector<10000x128xf32>,
    return
  }
}

module attributes {stable_mosaic.version = 14 : i64} {
  func.func @_tc_final_body(%arg0: memref<2x10112x128xf32, #tpu.memory_space<vmem>>, %arg1: memref<10000x128xf32, #tpu.memory_space<vmem>>, %arg2: memref<10000x1xf32, #tpu.memory_space<vmem>>, %arg3: memref<1x128xf32, #tpu.memory_space<vmem>>, %arg4: memref<1x10000xi32, #tpu.memory_space<vmem>>, %arg5: memref<128x2xf32, #tpu.memory_space<vmem>>, %arg6: memref<1x2xf32, #tpu.memory_space<vmem>>, %arg7: memref<64x2xf32, #tpu.memory_space<vmem>>) attributes {dimension_semantics = [], scalar_prefetch = 0 : i64, scratch_operands = 0 : i64, tpu.core_type = #tpu.core_type<tc>} {
    %get3A = arith.constant 0 : index
    %get3A_0 = arith.constant 0 : index
    %get3A_1 = arith.constant 0 : index
    %get3A_2 = vector.load %arg0[%get3A, %get3A_0, %get3A_1] : memref<2x10112x128xf32, #tpu.memory_space<vmem>>, vector<1x10000x128xf32>
    %get3A_3 = vector.shape_cast %get3A_2 : vector<1x10000x128xf32> to vector<10000x128xf32>
    %get3A_4 = arith.constant 1 : index
    %get3A_5 = arith.constant 0 : index
    %get3A_6 = arith.constant 0 : index
    %get3A_7 = vector.load %arg0[%get3A_4, %get3A_5, %get3A_6] : memref<2x10112x128xf32, #tpu.memory_space<vmem>>, vector<1x10000x128xf32>
    %get3A_8 = vector.shape_cast %get3A_7 : vector<1x10000x128xf32> to vector<10000x128xf32>
    %add3A = arith.addf %get3A_3, %get3A_8 : vector<10000x128xf32>
    %get3A_9 = arith.constant 0 : index
    %get3A_10 = arith.constant 0 : index
    %get3A_11 = vector.load %arg1[%get3A_9, %get3A_10] : memref<10000x128xf32, #tpu.memory_space<vmem>>, vector<10000x128xf32>
    %add3A_12 = arith.addf %add3A, %get3A_11 : vector<10000x128xf32>
    %get3A_13 = arith.constant 0 : index
    %get3A_14 = arith.constant 0 : index
    %get3A_15 = vector.load %arg2[%get3A_13, %get3A_14] : memref<10000x1xf32, #tpu.memory_space<vmem>>, vector<10000x1xf32>
    %mul3A = vector.broadcast %get3A_15 : vector<10000x1xf32> to vector<10000x128xf32>
    %mul3A_16 = arith.mulf %add3A_12, %mul3A : vector<10000x128xf32>
    %get3A_17 = arith.constant 0 : index
    %get3A_18 = arith.constant 0 : index
    %get3A_19 = vector.load %arg3[%get3A_17, %get3A_18] : memref<1x128xf32, #tpu.memory_space<vmem>>, vector<1x128xf32>
    %add3A_20 = vector.broadcast %get3A_19 : vector<1x128xf32> to vector<10000x128xf32>
    %add3A_21 = arith.addf %mul3A_16, %add3A_20 : vector<10000x128xf32>
    %max3A = arith.constant 0.000000e+00 : f32
    %max3A_22 = vector.broadcast %max3A : f32 to vector<10000x128xf32>
    %max3A_23 = arith.maximumf %add3A_21, %max3A_22 : vector<10000x128xf32>
    %iota3A = tpu.iota {dimensions = array<i32: 0>} : vector<64x10000xi32>
    %get3A_24 = arith.constant 0 : index
    %get3A_25 = arith.constant 0 : index
    %get3A_26 = vector.load %arg4[%get3A_24, %get3A_25] : memref<1x10000xi32, #tpu.memory_space<vmem>>, vector<1x10000xi32>
    %eq3A = vector.broadcast %get3A_26 : vector<1x10000xi32> to vector<64x10000xi32>
    %eq3A_27 = arith.cmpi eq, %eq3A, %iota3A : vector<64x10000xi32>
    %convert_element_type3A = arith.extui %eq3A_27 : vector<64x10000xi1> to vector<64x10000xi32>
    %convert_element_type3A_28 = arith.sitofp %convert_element_type3A : vector<64x10000xi32> to vector<64x10000xf32>
    %dot_general3A = arith.constant dense<0.000000e+00> : vector<64x128xf32>
    %dot_general3A_29 = tpu.matmul %convert_element_type3A_28, %max3A_23, %dot_general3A {dimension_numbers = #tpu.dot_dimension_numbers<[1], [0], [0], [1], [0, 0, 1, 1], [], []>, transpose_lhs_hint = false} : vector<64x10000xf32>, vector<10000x128xf32>, vector<64x128xf32> -> vector<64x128xf32>
    %broadcast_in_dim3A = arith.constant 1.000000e+00 : f32
    %broadcast_in_dim3A_30 = vector.broadcast %broadcast_in_dim3A : f32 to vector<10000x1xf32>
    %dot_general3A_31 = arith.constant dense<0.000000e+00> : vector<64x1xf32>
    %dot_general3A_32 = tpu.matmul %convert_element_type3A_28, %broadcast_in_dim3A_30, %dot_general3A_31 {dimension_numbers = #tpu.dot_dimension_numbers<[1], [0], [0], [1], [0, 0, 1, 1], [], []>, transpose_lhs_hint = false} : vector<64x10000xf32>, vector<10000x1xf32>, vector<64x1xf32> -> vector<64x1xf32>
    %max3A_33 = arith.constant 1.000000e+00 : f32
    %max3A_34 = vector.broadcast %max3A_33 : f32 to vector<64x1xf32>
    %max3A_35 = arith.maximumf %dot_general3A_32, %max3A_34 : vector<64x1xf32>
    %div3A = vector.broadcast %max3A_35 : vector<64x1xf32> to vector<64x128xf32>
    %div3A_36 = arith.divf %dot_general3A_29, %div3A : vector<64x128xf32>
    %get3A_37 = arith.constant 0 : index
    %get3A_38 = arith.constant 0 : index
    %get3A_39 = vector.load %arg5[%get3A_37, %get3A_38] : memref<128x2xf32, #tpu.memory_space<vmem>>, vector<128x2xf32>
    %dot_general3A_40 = arith.constant dense<0.000000e+00> : vector<64x2xf32>
    %dot_general3A_41 = tpu.matmul %div3A_36, %get3A_39, %dot_general3A_40 {dimension_numbers = #tpu.dot_dimension_numbers<[1], [0], [0], [1], [0, 0, 1, 1], [], []>, transpose_lhs_hint = false} : vector<64x128xf32>, vector<128x2xf32>, vector<64x2xf32> -> vector<64x2xf32>
    %get3A_42 = arith.constant 0 : index
    %get3A_43 = arith.constant 0 : index
    %get3A_44 = vector.load %arg6[%get3A_42, %get3A_43] : memref<1x2xf32, #tpu.memory_space<vmem>>, vector<1x2xf32>
    %add3A_45 = vector.broadcast %get3A_44 : vector<1x2xf32> to vector<64x2xf32>
    %add3A_46 = arith.addf %dot_general3A_41, %add3A_45 : vector<64x2xf32>
    %swap3A = arith.constant 0 : index
    %swap3A_47 = arith.constant 0 : index
    %swap3A_48 = vector.load %arg7[%swap3A, %swap3A_47] : memref<64x2xf32, #tpu.memory_space<vmem>>, vector<64x2xf32>
    tpu.vector_store %arg7[%swap3A, %swap3A_47], %add3A_46 {strides = array<i32>} : memref<64x2xf32, #tpu.memory_space<vmem>>, vector<64x2xf32>,
    return
  }
}

</mosaic_0001>

<sc_bundles>
// kernel: kernel.10.cloned.1.call-start
scs
__scs_entry_jumppad:
0x0: {  	(pc) =	sbr.rel $0x88, $3  }
0x1: {  	(tag) =	ssettag $0x0;
	lr =	simm.s32 $0x1  }
0x2: {  	[smem:$0x3F96] =	sst lr;
	_ =	strace $0xD0000000  }
0x3: {  	_ = 	snop  }
0x4: {  	_ = 	snop  }
0x5: {  	_ = 	snop  }
0x6: {  	_ = 	snop  }
0x7: {  	_ = 	snop  }
__scs_overlays_trampoline_lowered:
0x8: {  	[smem:$0x3FA5] =	sst s0  }
0x9: {  	[smem:$0x3FA6] =	sst s1  }
0xa: {  	[smem:$0x3FA7] =	sst s2  }
0xb: {  	[smem:$0x3FA8] =	sst s3  }
0xc: {  	[smem:$0x3FA9] =	sst s4  }
0xd: {  	[smem:$0x3FAA] =	sst s5  }
0xe: {  	[smem:$0x3FAB] =	sst s6  }
0xf: {  	[smem:$0x3FAC] =	sst s7  }
0x10: {  	[smem:$0x3FAD] =	sst s8  }
0x11: {  	[smem:$0x3FAE] =	sst s9;
	s0 =	simm.s32 @!p0 $0x0  }
0x12: {  	s1 =	sld [smem:$0x3F94];
	s0 =	simm.s32 @p0 $0x1  }
0x13: {  	[smem:$0x3FAF] =	sst s0;
	s0 =	simm.s32 @!p1 $0x0  }
0x14: {  	s2 =	sld [smem:$0x3F93];
	s0 =	simm.s32 @p1 $0x1  }
0x15: {  	[smem:$0x3FB0] =	sst s0;
	s0 =	simm.s32 @!p2 $0x0  }
0x16: {  	s3 =	sld [smem:$0x3FDB];
	s0 =	simm.s32 @p2 $0x1  }
0x17: {  	s4 =	simm.s32 $0x1BF5;
	[smem:$0x3FB2] =	sst s0  }
0x18: {  	s0 =	sld [smem:$0x3F95];
	_ =	swait.ge [sflag:s4], $0x0  }
0x19: {  	s7 =	sld [smem:$0x3F96]  }
0x1a: {  	s8 =	sadd.s32 $0xFFFFE003, lr  }
0x1b: {  	s9 =	sadd.s32 $0xFFFFFEF7, lr;
	s5 =	simm.s32 $0xFFFFFFFF;
	p2 =	slt.u32 s8, $0xFFFFF086  }
0x1c: {  	p1 =	slt.u32 s9, $0xF7A;
	s5 =	simm.s32 @!p2 $0x0  }
0x1d: {  	s5 =	simm.s32 @p1 $0x1;
	p0 =	seq.s32 s7, s2  }
0x1e: {  	s7 =	smul.u32 @!p0 $0xF7A, s2;
	p2 =	seq.s32 @!p0 s5, $0x0  }
0x1f: {  	s9 =	smul.u32 $0xF7A, s1;
	s8 =	simm.s32 @!p0 $0x1BF5;
	p2 =	por !p2, p0  }
0x20: {  	[sflag:s8] =	ssyncset.s32 @!p0 $0xFFFFF086;
	s6 =	sadd.s32 @!p0 s3, s7;
	s7 =	simm.s32 @!p0 $0x108  }
0x21: {  	s3 =	sadd.s32 s3, s9;
	s6 =	sadd.s32 @!p0 $0x88, s6;
	s7 =	simm.s32 @p2 $0x1082  }
0x22: {  	[simem:s7], [sflag:s8] =	dma.local @!p0 [hbm:s6], $0xF7A  }
0x23: {  	s9 =	sor.u32 $0xD0000000, s2;
	s6 =	simm.s32 $0x108;
	_ =	swait.ge @!p0 [sflag:s8], $0x0  }
0x24: {  	s3 =	sadd.s32 $0x88, s3;
	s6 =	simm.s32 @!p1 $0x1082;
	[sflag:s4] =	ssyncset.s32 $0xFFFFF086  }
0x25: {  	[simem:s6], [sflag:s4] =	dma.local [hbm:s3], $0xF7A  }
0x26: {  	[smem:$0x3F96] =	sst s1;
	(tag) =	ssettag s2;
	_ =	strace s9  }
0x27: {  	s1 =	sld [smem:$0x3FA6]  }
0x28: {  	s2 =	sld [smem:$0x3FA7]  }
0x29: {  	s4 =	sld [smem:$0x3FA9]  }
0x2a: {  	p0 =	seq.s32 s5, $0x0;
	s5 =	sld [smem:$0x3FAA]  }
0x2b: {  	s6 =	sld [smem:$0x3FAB]  }
0x2c: {  	s7 =	sld [smem:$0x3FAC]  }
0x2d: {  	s3 =	simm.s32 $0x108;
	s8 =	sld [smem:$0x3FAD]  }
0x2e: {  	s3 =	simm.s32 @!p0 $0x1082;
	s9 =	sld [smem:$0x3FAE]  }
0x2f: {  	lr =	sadd.s32 s0, s3;
	s0 =	sld [smem:$0x3FA5]  }
0x30: {  	s3 =	sld [smem:$0x3FA8]  }
0x31: {  	[smem:$0x3FB1] =	sst s10  }
0x32: {  	s10 =	sld [smem:$0x3FAF];
	_ =	sdelay $0x3  }
0x33: {  	p0 =	seq.s32 s10, $0x1;
	s10 =	sld [smem:$0x3FB1];
	_ =	sdelay $0x3  }
0x34: {  	[smem:$0x3FB1] =	sst s10  }
0x35: {  	s10 =	sld [smem:$0x3FB0];
	_ =	sdelay $0x3  }
0x36: {  	p1 =	seq.s32 s10, $0x1;
	s10 =	sld [smem:$0x3FB1];
	_ =	sdelay $0x3  }
0x37: {  	[smem:$0x3FB1] =	sst s10  }
0x38: {  	s10 =	sld [smem:$0x3FB2]  }
0x39: {  	_ = 	snop;
	(pc) =	sbr.ind lr, $3  }
0x3a: {  	_ = 	snop  }
0x3b: {  	_ = 	snop  }
0x3c: {  	p2 =	seq.s32 s10, $0x1;
	s10 =	sld [smem:$0x3FB1]  }
0x3d: {  	_ =	shalt  }
0x3e: {  	_ =	shalt  }
0x3f: {  	_ =	shalt  }
0x40: {  	_ =	shalt  }
0x41: {  	_ =	shalt  }
0x42: {  	_ =	shalt  }
0x43: {  	_ =	shalt  }
0x44: {  	_ =	shalt  }
0x45: {  	_ =	shalt  }
0x46: {  	_ =	shalt  }
0x47: {  	_ =	shalt  }
0x48: {  	_ =	shalt  }
0x49: {  	_ =	shalt  }
0x4a: {  	_ =	shalt  }
0x4b: {  	_ =	shalt  }
0x4c: {  	_ =	shalt  }
0x4d: {  	_ =	shalt  }
0x4e: {  	_ =	shalt  }
0x4f: {  	_ =	shalt  }
0x50: {  	_ =	shalt  }
0x51: {  	_ =	shalt  }
0x52: {  	_ =	shalt  }
0x53: {  	_ =	shalt  }
0x54: {  	_ =	shalt  }
0x55: {  	_ =	shalt  }
0x56: {  	_ =	shalt  }
0x57: {  	_ =	shalt  }
0x58: {  	_ =	shalt  }
0x59: {  	_ =	shalt  }
0x5a: {  	_ =	shalt  }
0x5b: {  	_ =	shalt  }
0x5c: {  	_ =	shalt  }
0x5d: {  	_ =	shalt  }
0x5e: {  	_ =	shalt  }
0x5f: {  	_ =	shalt  }
0x60: {  	_ =	shalt  }
0x61: {  	_ =	shalt  }
0x62: {  	_ =	shalt  }
0x63: {  	_ =	shalt  }
0x64: {  	_ =	shalt  }
0x65: {  	_ =	shalt  }
0x66: {  	_ =	shalt  }
0x67: {  	_ =	shalt  }
0x68: {  	_ =	shalt  }
0x69: {  	_ =	shalt  }
0x6a: {  	_ =	shalt  }
0x6b: {  	_ =	shalt  }
0x6c: {  	_ =	shalt  }
0x6d: {  	_ =	shalt  }
0x6e: {  	_ =	shalt  }
0x6f: {  	_ =	shalt  }
0x70: {  	_ =	shalt  }
0x71: {  	_ =	shalt  }
0x72: {  	_ =	shalt  }
0x73: {  	_ =	shalt  }
0x74: {  	_ =	shalt  }
0x75: {  	_ =	shalt  }
0x76: {  	_ =	shalt  }
0x77: {  	_ =	shalt  }
0x78: {  	_ =	shalt  }
0x79: {  	_ =	shalt  }
0x7a: {  	_ =	shalt  }
0x7b: {  	_ =	shalt  }
0x7c: {  	_ =	shalt  }
0x7d: {  	_ =	shalt  }
0x7e: {  	_ =	shalt  }
0x7f: {  	_ =	shalt  }
0x80: {  	_ =	shalt  }
0x81: {  	_ =	shalt  }
0x82: {  	_ =	shalt  }
0x83: {  	_ =	shalt  }
0x84: {  	_ =	shalt  }
0x85: {  	_ =	shalt  }
0x86: {  	_ =	shalt  }
0x87: {  	_ =	shalt  }
.Lfunc_end0:
.L_simem_size_0:
called_computation_lowered:
.L_overlay_start_0:
0x88: {  	s2 =	sld [smem:$0x3FD9]  }
0x89: {  	s3 =	sld [smem:$0x3FFE];
	_ =	sdelay $0x1  }
0x8a: {  	s1 =	srdreg.scid  }
0x8b: {  	s0 =	sand.u32 $0x1, s1  }
0x8c: {  	s16 =	sshll.u32 s0, $0xA;
	s2 =	sadd.s32 s3, s2  }
0x8d: {  	s2 =	sadd.s32 s2, s16  }
0x8e: {  	[smem:$0x3FBD] =	sst s2  }
0x8f: {  	_ = 	snop  }
0x90: {  	(tm) =	ssettm $0x1  }
0x91: {  	s17 =	sld [smem:$0x3FFB];
	_ =	sdelay $0x3  }
0x92: {  	_ =	strace s17  }
0x93: {  	s2 =	sld [smem:$0x3FFC];
	_ =	sdelay $0x3  }
0x94: {  	_ =	strace s2  }
0x95: {  	s2 =	sld [smem:$0x3FFD];
	_ =	sdelay $0x3  }
0x96: {  	_ =	strace s2  }
0x97: {  	_ =	strace $0x8FFFFFFF  }
0x98: {  	s18 =	sld [smem:$0x3FDB];
	_ =	sdelay $0x1  }
0x99: {  	s19 =	simm.s32 $_scs_section_size  }
0x9a: {  	s4 =	simm.s32 $_size__tile_overlayer_lowered;
	s5 =	simm.s32 $_tile_overlayer_lowered  }
0x9b: {  	s22 =	simm.s32 $0x1BFF;
	s21 =	sshll.u32 s5, $0x1;
	s2 =	sadd.s32 s19, s18  }
0x9c: {  	s6 =	simm.s32 $0x0;
	s20 =	sshll.u32 s4, $0x1;
	s4 =	sadd.s32 s21, s2  }
0x9d: {  	[timem:s6], [sflag:s22] =	dma.local [hbm:s4], s20  }
0x9e: {  	_ =	swait.ge [sflag:s22], s20  }
0x9f: {  	s3 =	ssub.s32 $0x0, s20;
	[sflag:s22] =	ssyncset.done $0x0  }
0xa0: {  	[sflag:s22] =	ssyncadd.s32 s3;
	_ =	sdelay $0x1  }
0xa1: {  	s23 =	simm.s32 $0x1B8B  }
0xa2: {  	_ =	swait.ge [sflag:s23], $0x1  }
0xa3: {  	[sflag:s23] =	ssyncset.done $0x0  }
0xa4: {  	s25 =	simm.s32 $0x1B8E;
	s24 =	sld [smem:$0x3FFE];
	[sflag:s23] =	ssyncadd.s32 $0xFFFFFFFF  }
0xa5: {  	s26 =	simm.s32 $execute0_lowered;
	[smem:$0x3FD2] =	sst s25  }
0xa6: {  	s4 =	sshll.u32 s26, $0x1;
	_ =	strace $0x80000046;
	[dreg:$0x1] =	wrdreg $0xFFFFFFFF  }
0xa7: {  	s28 =	simm.s32 $_size_execute0_lowered;
	s2 =	sadd.s32 s2, s4;
	[dreg:$0x0] =	wrdreg $0x0  }
0xa8: {  	s4 =	sshll.u32 s28, $0x1;
	[dreg:$0x2] =	wrdreg s2  }
0xa9: {  	[dreg:$0x3] =	wrdreg s4  }
0xaa: {  	[dreg:$0x4] =	wrdreg $0xC0  }
0xab: {  	_ =	task [dreg:s6], $0x5FFFF  }
0xac: {  	[dreg:$0x1] =	wrdreg $0xFFFFFFFF  }
0xad: {  	[dreg:$0x0] =	wrdreg $0x60  }
0xae: {  	[dreg:$0x2] =	wrdreg s24  }
0xaf: {  	[dreg:$0x3] =	wrdreg $0x2C000  }
0xb0: {  	[dreg:$0x4] =	wrdreg $0x9  }
0xb1: {  	_ =	task.clear_ibuf [dreg:s6], $0x5FFFF;
	_ =	strace $0x90000046  }
0xb2: {  	s29 =	simm.s32 $0x9;
	_ =	strace $0x80000048  }
0xb3: {  	_ =	swait.ge [sflag:s29], $0x1  }
0xb4: {  	[sflag:s29] =	ssyncadd.s32 $0xFFFFFFFF  }
0xb5: {  	_ =	strace $0x90000048  }
0xb6: {  	_ =	sfence  }
0xb7: {  	s30 =	sld [smem:$0x0];
	_ =	sdelay $0x2  }
0xb8: {  	s31 =	sshll.u32 s1, $0xD;
	s1 =	sshrl.u32 s1, $0x2  }
0xb9: {  	s3 =	sand.u32 $0x4000, s31;
	s1 =	sadd.s32 s1, s30  }
0xba: {  	s0 =	sor.u32 s3, s0;
	s1 =	sshll.u32 s1, $0x11  }
0xbb: {  	s0 =	sor.u32 s1, s0  }
0xbc: {  	s0 =	sadd.s32 $0x8F2B, s0  }
0xbd: {  	[sflag:s0] =	ssyncadd.remote.s32 $0x1  }
0xbe: {  	_ =	sfence.sel $0xFFFF  }
0xbf: {  	[dreg:$0x0] =	wrdreg $0xFFFFFFFF;
	(pc) =	sbr.abs _section_cstart, $3  }
0xc0: {  	[dreg:$0x1] =	wrdreg $0xFFFFFFFF  }
0xc1: {  	_ =	task.clear_ibuf [dreg:s6], $0x2FFFF;
	_ =	strace $0x9FFFFFFF  }
0xc2: {  	(tm) =	ssettm $0x7FFFFFFF  }
0xc3: {  	_ =	shalt  }
tec
execute0_lowered:
.L_overlay_start_1:
0x0: {  	(tag) =	ssettag $0x1  }
0x1: {  	s0 =	srdreg.scid;
	s4 =	rddreg [dreg:$0x0]  }
0x2: {  	s2 =	rddreg [dreg:$0x1];
	s3 =	simm.s32 $0x0;
	s10 =	simm.s32 $0x40  }
0x3: {  	s11 =	simm.s32 $0x800;
	s12 =	simm.s32 $0x80;
	s13 =	simm.s32 $0x100  }
0x4: {  	s14 =	simm.s32 $0x180;
	s15 =	simm.s32 $0x200;
	s16 =	simm.s32 $0x280  }
0x5: {  	s17 =	simm.s32 $0x300;
	s18 =	simm.s32 $0x380;
	s5 =	sand.u32 $0x1, s0  }
0x6: {  	s19 =	simm.s32 $0x400;
	s0 =	stileid.u32;
	s6 =	smul.u32 $0x50000, s5  }
0x7: {  	s20 =	simm.s32 $0x480;
	s21 =	simm.s32 $0x500;
	s7 =	smul.u32 $0x5000, s0  }
0x8: {  	s22 =	simm.s32 $0x580;
	s23 =	simm.s32 $0x600;
	s8 =	smul.u32 $0x13C000, s5  }
0x9: {  	s24 =	simm.s32 $0x680;
	s28 =	simm.s32 $0x0;
	s25 =	smul.u32 $0x13C00, s0  }
0xa: {  	[smem:$0x7FF] =	sst s3;
	s5 =	ssub.s32 $0x2, s5;
	s26 =	smul.u32 $0x4F000, s0  }
0xb: {  	_ =	strace $0x80000047;
	s30 =	sshrl.u32 s5, $0x1;
	s6 =	sadd.s32 s7, s6  }
0xc: {  	s7 =	sadd.s32 s25, s8;
	s31 =	sshrl.u32 s26, $0x2;
	s8 =	simm.s32 $0x2800  }
0xd: {  	s25 =	simm.s32 $0x700;
	s6 =	sshrl.u32 s6, $0x3;
	s29 =	sshrl.u32 s7, $0x3  }
0xe: {  	s26 =	simm.s32 $0x780;
	s9 =	sadd.s32 s6, s4;
	s6 =	sadd.s32 s29, s4  }
0xf: {  	s7 =	ssub.s32 s5, s30;
	s4 =	sadd.s32 s31, s2;
	s5 =	sadd.s32 $0x17A00, s6  }
0x10: {  	v0 =	vimm.f32 $1.000000000e+00;
	v1 =	vimm.f32 $0.0e+00;
	s6 =	smax.u32 s7, $0x1;
	s7 =	sadd.s32 $0x3A00, s9;
	s9 =	simm.s32 $0x1  }
.LBB2_1:
0x11: {  	s29 =	simm.s32 $0x200;
	s30 =	simm.s32 $0x0  }
.LBB2_2:
0x12: {  	p0 =	sne.s32 s29, $0x7E00;
	[tilespmem:s30+$0x800] =	vst v0;
	s30 =	smov.u32 s29;
	s29 =	sadd.s32 $0x200, s29  }
.Ltmp0:
0x13: {  	(pc) =	sbr.rel @p0 .LBB2_2-.Ltmp0, $2  }
0x14: {  	_ =	sdelay $0x2  }
0x15: {  	s30 =	sshra.s32 s30, $0x2  }
0x16: {  	[tilespmem:s30+$0x800] =	vst v0  }
0x17: {  	[tilespmem:$0x2800] =	vst v1  }
0x18: {  	[tilespmem:$0x2880] =	vst v1  }
0x19: {  	[tilespmem:$0x2900] =	vst v1  }
0x1a: {  	[tilespmem:$0x2980] =	vst v1  }
0x1b: {  	[tilespmem:$0x2A00] =	vst v1  }
0x1c: {  	[tilespmem:$0x2A80] =	vst v1  }
0x1d: {  	[tilespmem:$0x2B00] =	vst v1  }
0x1e: {  	s29 =	sadd.s32 $0x0, s4;
	[tilespmem:$0x2B80] =	vst v1  }
0x1f: {  	[spmem:s29] =	stream.linear.scatter [tilespmem:s8], [sflag:$0x1], $0x400, $0x38;
	[tilespmem:$0x5380] =	vst v63  }
0x20: {  	s29 =	simm.s32 $0x1000;
	_ =	swait.ge [sflag:s9], $0x400  }
.LBB2_4:
0x21: {  	s30 =	sshra.s32 s29, $0x2;
	[sflag:s9] =	ssyncset.done $0x0;
	p0 =	sne.s32 s29, $0x4E000  }
.Ltmp1:
0x22: {  	s30 =	sadd.s32 s30, s4;
	[sflag:s9] =	ssyncadd.s32 $0xFFFFFC00;
	(pc) =	sbr.rel @p0 .LBB2_4-.Ltmp1, $3  }
0x23: {  	[spmem:s30] =	stream.linear.scatter [tilespmem:s8], [sflag:$0x1], $0x400, $0x38;
	[tilespmem:$0x5380] =	vst v63  }
0x24: {  	s29 =	sadd.s32 $0x1000, s29;
	_ =	sdelay $0x1  }
0x25: {  	_ =	swait.ge [sflag:s9], $0x400  }
0x26: {  	[sflag:s9] =	ssyncset.done $0x0  }
0x27: {  	[sflag:s9] =	ssyncadd.s32 $0xFFFFFC00  }
0x28: {  	s29 =	sadd.s32 $0x0, s7;
	[bflag:$0x0] =	sbarrier.arrive $0xFFFF  }
0x29: {  	[tilespmem:s3], [sflag:$0x1] =	stream.linear.gather [hbm4b:s29+s3], $0x800, $0x38;
	[tilespmem:$0x5380] =	vst v63  }
0x2a: {  	_ =	swait.ge [sflag:s9], $0x800  }
0x2b: {  	[sflag:s9] =	ssyncset.done $0x0  }
0x2c: {  	[sflag:s9] =	ssyncadd.s32 $0xFFFFF800  }
0x2d: {  	[spmem:s2] =	stream.indirect.scatter.add.f32 [tilespmem:s11], [sflag:$0x1], $0x10, s3, s10, $0xb8;
	[tilespmem:$0x5380] =	vst v63  }
0x2e: {  	_ =	swait.ge [sflag:s9], $0x400  }
0x2f: {  	[sflag:s9] =	ssyncset.done $0x0  }
0x30: {  	[sflag:s9] =	ssyncadd.s32 $0xFFFFFC00  }
0x31: {  	[spmem:s2] =	stream.indirect.scatter.add.f32 [tilespmem:s11], [sflag:$0x1], $0x10, s12, s10, $0xb8;
	[tilespmem:$0x5380] =	vst v63  }
0x32: {  	_ =	swait.ge [sflag:s9], $0x400  }
0x33: {  	[sflag:s9] =	ssyncset.done $0x0  }
0x34: {  	[sflag:s9] =	ssyncadd.s32 $0xFFFFFC00  }
0x35: {  	[spmem:s2] =	stream.indirect.scatter.add.f32 [tilespmem:s11], [sflag:$0x1], $0x10, s13, s10, $0xb8;
	[tilespmem:$0x5380] =	vst v63  }
0x36: {  	_ =	swait.ge [sflag:s9], $0x400  }
0x37: {  	[sflag:s9] =	ssyncset.done $0x0  }
0x38: {  	[sflag:s9] =	ssyncadd.s32 $0xFFFFFC00  }
0x39: {  	[spmem:s2] =	stream.indirect.scatter.add.f32 [tilespmem:s11], [sflag:$0x1], $0x10, s14, s10, $0xb8;
	[tilespmem:$0x5380] =	vst v63  }
0x3a: {  	_ =	swait.ge [sflag:s9], $0x400  }
0x3b: {  	[sflag:s9] =	ssyncset.done $0x0  }
0x3c: {  	[sflag:s9] =	ssyncadd.s32 $0xFFFFFC00  }
0x3d: {  	[spmem:s2] =	stream.indirect.scatter.add.f32 [tilespmem:s11], [sflag:$0x1], $0x10, s15, s10, $0xb8;
	[tilespmem:$0x5380] =	vst v63  }
0x3e: {  	_ =	swait.ge [sflag:s9], $0x400  }
0x3f: {  	[sflag:s9] =	ssyncset.done $0x0  }
0x40: {  	[sflag:s9] =	ssyncadd.s32 $0xFFFFFC00  }
0x41: {  	[spmem:s2] =	stream.indirect.scatter.add.f32 [tilespmem:s11], [sflag:$0x1], $0x10, s16, s10, $0xb8;
	[tilespmem:$0x5380] =	vst v63  }
0x42: {  	_ =	swait.ge [sflag:s9], $0x400  }
0x43: {  	[sflag:s9] =	ssyncset.done $0x0  }
0x44: {  	[sflag:s9] =	ssyncadd.s32 $0xFFFFFC00  }
0x45: {  	[spmem:s2] =	stream.indirect.scatter.add.f32 [tilespmem:s11], [sflag:$0x1], $0x10, s17, s10, $0xb8;
	[tilespmem:$0x5380] =	vst v63  }
0x46: {  	_ =	swait.ge [sflag:s9], $0x400  }
0x47: {  	[sflag:s9] =	ssyncset.done $0x0  }
0x48: {  	[sflag:s9] =	ssyncadd.s32 $0xFFFFFC00  }
0x49: {  	[spmem:s2] =	stream.indirect.scatter.add.f32 [tilespmem:s11], [sflag:$0x1], $0x10, s18, s10, $0xb8;
	[tilespmem:$0x5380] =	vst v63  }
0x4a: {  	_ =	swait.ge [sflag:s9], $0x400  }
0x4b: {  	[sflag:s9] =	ssyncset.done $0x0  }
0x4c: {  	[sflag:s9] =	ssyncadd.s32 $0xFFFFFC00  }
0x4d: {  	[spmem:s2] =	stream.indirect.scatter.add.f32 [tilespmem:s11], [sflag:$0x1], $0x10, s19, s10, $0xb8;
	[tilespmem:$0x5380] =	vst v63  }
0x4e: {  	_ =	swait.ge [sflag:s9], $0x400  }
0x4f: {  	[sflag:s9] =	ssyncset.done $0x0  }
0x50: {  	[sflag:s9] =	ssyncadd.s32 $0xFFFFFC00  }
0x51: {  	[spmem:s2] =	stream.indirect.scatter.add.f32 [tilespmem:s11], [sflag:$0x1], $0x10, s20, s10, $0xb8;
	[tilespmem:$0x5380] =	vst v63  }
0x52: {  	_ =	swait.ge [sflag:s9], $0x400  }
0x53: {  	[sflag:s9] =	ssyncset.done $0x0  }
0x54: {  	[sflag:s9] =	ssyncadd.s32 $0xFFFFFC00  }
0x55: {  	[spmem:s2] =	stream.indirect.scatter.add.f32 [tilespmem:s11], [sflag:$0x1], $0x10, s21, s10, $0xb8;
	[tilespmem:$0x5380] =	vst v63  }
0x56: {  	_ =	swait.ge [sflag:s9], $0x400  }
0x57: {  	[sflag:s9] =	ssyncset.done $0x0  }
0x58: {  	[sflag:s9] =	ssyncadd.s32 $0xFFFFFC00  }
0x59: {  	[spmem:s2] =	stream.indirect.scatter.add.f32 [tilespmem:s11], [sflag:$0x1], $0x10, s22, s10, $0xb8;
	[tilespmem:$0x5380] =	vst v63  }
0x5a: {  	_ =	swait.ge [sflag:s9], $0x400  }
0x5b: {  	[sflag:s9] =	ssyncset.done $0x0  }
0x5c: {  	[sflag:s9] =	ssyncadd.s32 $0xFFFFFC00  }
0x5d: {  	[spmem:s2] =	stream.indirect.scatter.add.f32 [tilespmem:s11], [sflag:$0x1], $0x10, s23, s10, $0xb8;
	[tilespmem:$0x5380] =	vst v63  }
0x5e: {  	_ =	swait.ge [sflag:s9], $0x400  }
0x5f: {  	[sflag:s9] =	ssyncset.done $0x0  }
0x60: {  	[sflag:s9] =	ssyncadd.s32 $0xFFFFFC00  }
0x61: {  	[spmem:s2] =	stream.indirect.scatter.add.f32 [tilespmem:s11], [sflag:$0x1], $0x10, s24, s10, $0xb8;
	[tilespmem:$0x5380] =	vst v63  }
0x62: {  	_ =	swait.ge [sflag:s9], $0x400  }
0x63: {  	[sflag:s9] =	ssyncset.done $0x0  }
0x64: {  	[sflag:s9] =	ssyncadd.s32 $0xFFFFFC00  }
0x65: {  	[spmem:s2] =	stream.indirect.scatter.add.f32 [tilespmem:s11], [sflag:$0x1], $0x10, s25, s10, $0xb8;
	[tilespmem:$0x5380] =	vst v63  }
0x66: {  	_ =	swait.ge [sflag:s9], $0x400  }
0x67: {  	[sflag:s9] =	ssyncset.done $0x0  }
0x68: {  	[sflag:s9] =	ssyncadd.s32 $0xFFFFFC00  }
0x69: {  	[spmem:s2] =	stream.indirect.scatter.add.f32 [tilespmem:s11], [sflag:$0x1], $0x10, s26, s10, $0xb8;
	[tilespmem:$0x5380] =	vst v63  }
0x6a: {  	_ =	swait.ge [sflag:s9], $0x400  }
0x6b: {  	s31 =	simm.s32 $0x200;
	s29 =	simm.s32 $0x100;
	[sflag:s9] =	ssyncset.done $0x0  }
.LBB2_6:
0x6c: {  	s1 =	sadd.s32 s29, s7  }
0x6d: {  	[sflag:s9] =	ssyncadd.s32 $0xFFFFFC00;
	s29 =	smov.u32 s31;
	s30 =	sadd.s32 $0x100, s31  }
0x6e: {  	[tilespmem:s3], [sflag:$0x1] =	stream.linear.gather [hbm4b:s1+s3], $0x800, $0x38;
	[tilespmem:$0x5380] =	vst v63  }
0x6f: {  	p0 =	sne.s32 s31, $0x900;
	_ =	swait.ge [sflag:s9], $0x800  }
0x70: {  	[sflag:s9] =	ssyncset.done $0x0  }
0x71: {  	[sflag:s9] =	ssyncadd.s32 $0xFFFFF800  }
0x72: {  	[spmem:s2] =	stream.indirect.scatter.add.f32 [tilespmem:s11], [sflag:$0x1], $0x10, s3, s10, $0xb8;
	[tilespmem:$0x5380] =	vst v63  }
0x73: {  	_ =	swait.ge [sflag:s9], $0x400  }
0x74: {  	[sflag:s9] =	ssyncset.done $0x0  }
0x75: {  	[sflag:s9] =	ssyncadd.s32 $0xFFFFFC00  }
0x76: {  	[spmem:s2] =	stream.indirect.scatter.add.f32 [tilespmem:s11], [sflag:$0x1], $0x10, s12, s10, $0xb8;
	[tilespmem:$0x5380] =	vst v63  }
0x77: {  	_ =	swait.ge [sflag:s9], $0x400  }
0x78: {  	[sflag:s9] =	ssyncset.done $0x0  }
0x79: {  	[sflag:s9] =	ssyncadd.s32 $0xFFFFFC00  }
0x7a: {  	[spmem:s2] =	stream.indirect.scatter.add.f32 [tilespmem:s11], [sflag:$0x1], $0x10, s13, s10, $0xb8;
	[tilespmem:$0x5380] =	vst v63  }
0x7b: {  	_ =	swait.ge [sflag:s9], $0x400  }
0x7c: {  	[sflag:s9] =	ssyncset.done $0x0  }
0x7d: {  	[sflag:s9] =	ssyncadd.s32 $0xFFFFFC00  }
0x7e: {  	[spmem:s2] =	stream.indirect.scatter.add.f32 [tilespmem:s11], [sflag:$0x1], $0x10, s14, s10, $0xb8;
	[tilespmem:$0x5380] =	vst v63  }
0x7f: {  	_ =	swait.ge [sflag:s9], $0x400  }
0x80: {  	[sflag:s9] =	ssyncset.done $0x0  }
0x81: {  	[sflag:s9] =	ssyncadd.s32 $0xFFFFFC00  }
0x82: {  	[spmem:s2] =	stream.indirect.scatter.add.f32 [tilespmem:s11], [sflag:$0x1], $0x10, s15, s10, $0xb8;
	[tilespmem:$0x5380] =	vst v63  }
0x83: {  	_ =	swait.ge [sflag:s9], $0x400  }
0x84: {  	[sflag:s9] =	ssyncset.done $0x0  }
0x85: {  	[sflag:s9] =	ssyncadd.s32 $0xFFFFFC00  }
0x86: {  	[spmem:s2] =	stream.indirect.scatter.add.f32 [tilespmem:s11], [sflag:$0x1], $0x10, s16, s10, $0xb8;
	[tilespmem:$0x5380] =	vst v63  }
0x87: {  	_ =	swait.ge [sflag:s9], $0x400  }
0x88: {  	[sflag:s9] =	ssyncset.done $0x0  }
0x89: {  	[sflag:s9] =	ssyncadd.s32 $0xFFFFFC00  }
0x8a: {  	[spmem:s2] =	stream.indirect.scatter.add.f32 [tilespmem:s11], [sflag:$0x1], $0x10, s17, s10, $0xb8;
	[tilespmem:$0x5380] =	vst v63  }
0x8b: {  	_ =	swait.ge [sflag:s9], $0x400  }
0x8c: {  	[sflag:s9] =	ssyncset.done $0x0  }
0x8d: {  	[sflag:s9] =	ssyncadd.s32 $0xFFFFFC00  }
0x8e: {  	[spmem:s2] =	stream.indirect.scatter.add.f32 [tilespmem:s11], [sflag:$0x1], $0x10, s18, s10, $0xb8;
	[tilespmem:$0x5380] =	vst v63  }
0x8f: {  	_ =	swait.ge [sflag:s9], $0x400  }
0x90: {  	[sflag:s9] =	ssyncset.done $0x0  }
0x91: {  	[sflag:s9] =	ssyncadd.s32 $0xFFFFFC00  }
0x92: {  	[spmem:s2] =	stream.indirect.scatter.add.f32 [tilespmem:s11], [sflag:$0x1], $0x10, s19, s10, $0xb8;
	[tilespmem:$0x5380] =	vst v63  }
0x93: {  	_ =	swait.ge [sflag:s9], $0x400  }
0x94: {  	[sflag:s9] =	ssyncset.done $0x0  }
0x95: {  	[sflag:s9] =	ssyncadd.s32 $0xFFFFFC00  }
0x96: {  	[spmem:s2] =	stream.indirect.scatter.add.f32 [tilespmem:s11], [sflag:$0x1], $0x10, s20, s10, $0xb8;
	[tilespmem:$0x5380] =	vst v63  }
0x97: {  	_ =	swait.ge [sflag:s9], $0x400  }
0x98: {  	[sflag:s9] =	ssyncset.done $0x0  }
0x99: {  	[sflag:s9] =	ssyncadd.s32 $0xFFFFFC00  }
0x9a: {  	[spmem:s2] =	stream.indirect.scatter.add.f32 [tilespmem:s11], [sflag:$0x1], $0x10, s21, s10, $0xb8;
	[tilespmem:$0x5380] =	vst v63  }
0x9b: {  	_ =	swait.ge [sflag:s9], $0x400  }
0x9c: {  	[sflag:s9] =	ssyncset.done $0x0  }
0x9d: {  	[sflag:s9] =	ssyncadd.s32 $0xFFFFFC00  }
0x9e: {  	[spmem:s2] =	stream.indirect.scatter.add.f32 [tilespmem:s11], [sflag:$0x1], $0x10, s22, s10, $0xb8;
	[tilespmem:$0x5380] =	vst v63  }
0x9f: {  	_ =	swait.ge [sflag:s9], $0x400  }
0xa0: {  	[sflag:s9] =	ssyncset.done $0x0  }
0xa1: {  	[sflag:s9] =	ssyncadd.s32 $0xFFFFFC00  }
0xa2: {  	[spmem:s2] =	stream.indirect.scatter.add.f32 [tilespmem:s11], [sflag:$0x1], $0x10, s23, s10, $0xb8;
	[tilespmem:$0x5380] =	vst v63  }
0xa3: {  	_ =	swait.ge [sflag:s9], $0x400  }
0xa4: {  	[sflag:s9] =	ssyncset.done $0x0  }
0xa5: {  	[sflag:s9] =	ssyncadd.s32 $0xFFFFFC00  }
0xa6: {  	[spmem:s2] =	stream.indirect.scatter.add.f32 [tilespmem:s11], [sflag:$0x1], $0x10, s24, s10, $0xb8;
	[tilespmem:$0x5380] =	vst v63  }
0xa7: {  	_ =	swait.ge [sflag:s9], $0x400  }
0xa8: {  	[sflag:s9] =	ssyncset.done $0x0  }
0xa9: {  	[sflag:s9] =	ssyncadd.s32 $0xFFFFFC00  }
0xaa: {  	[spmem:s2] =	stream.indirect.scatter.add.f32 [tilespmem:s11], [sflag:$0x1], $0x10, s25, s10, $0xb8;
	[tilespmem:$0x5380] =	vst v63  }
0xab: {  	_ =	swait.ge [sflag:s9], $0x400  }
.Ltmp2:
0xac: {  	[sflag:s9] =	ssyncset.done $0x0;
	(pc) =	sbr.rel @p0 .LBB2_6-.Ltmp2, $4  }
0xad: {  	[sflag:s9] =	ssyncadd.s32 $0xFFFFFC00  }
0xae: {  	[spmem:s2] =	stream.indirect.scatter.add.f32 [tilespmem:s11], [sflag:$0x1], $0x10, s26, s10, $0xb8;
	[tilespmem:$0x5380] =	vst v63  }
0xaf: {  	_ =	swait.ge [sflag:s9], $0x400  }
0xb0: {  	s31 =	smov.u32 s30;
	[sflag:s9] =	ssyncset.done $0x0  }
0xb1: {  	s1 =	sadd.s32 s29, s7;
	[sflag:s9] =	ssyncadd.s32 $0xFFFFFC00  }
0xb2: {  	[tilespmem:s3], [sflag:$0x1] =	stream.linear.gather [hbm4b:s1+s3], $0x800, $0x38;
	[tilespmem:$0x5380] =	vst v63  }
0xb3: {  	_ =	swait.ge [sflag:s9], $0x800  }
0xb4: {  	[sflag:s9] =	ssyncset.done $0x0  }
0xb5: {  	[sflag:s9] =	ssyncadd.s32 $0xFFFFF800  }
0xb6: {  	[spmem:s2] =	stream.indirect.scatter.add.f32 [tilespmem:s11], [sflag:$0x1], $0x10, s3, s10, $0xb8;
	[tilespmem:$0x5380] =	vst v63  }
0xb7: {  	_ =	swait.ge [sflag:s9], $0x400  }
0xb8: {  	[sflag:s9] =	ssyncset.done $0x0  }
0xb9: {  	[sflag:s9] =	ssyncadd.s32 $0xFFFFFC00  }
0xba: {  	[spmem:s2] =	stream.indirect.scatter.add.f32 [tilespmem:s11], [sflag:$0x1], $0x10, s12, s10, $0xb8;
	[tilespmem:$0x5380] =	vst v63  }
0xbb: {  	_ =	swait.ge [sflag:s9], $0x400  }
0xbc: {  	[sflag:s9] =	ssyncset.done $0x0  }
0xbd: {  	[sflag:s9] =	ssyncadd.s32 $0xFFFFFC00  }
0xbe: {  	[spmem:s2] =	stream.indirect.scatter.add.f32 [tilespmem:s11], [sflag:$0x1], $0x10, s13, s10, $0xb8;
	[tilespmem:$0x5380] =	vst v63  }
0xbf: {  	_ =	swait.ge [sflag:s9], $0x400  }
0xc0: {  	[sflag:s9] =	ssyncset.done $0x0  }
0xc1: {  	[sflag:s9] =	ssyncadd.s32 $0xFFFFFC00  }
0xc2: {  	[spmem:s2] =	stream.indirect.scatter.add.f32 [tilespmem:s11], [sflag:$0x1], $0x10, s14, s10, $0xb8;
	[tilespmem:$0x5380] =	vst v63  }
0xc3: {  	_ =	swait.ge [sflag:s9], $0x400  }
0xc4: {  	[sflag:s9] =	ssyncset.done $0x0  }
0xc5: {  	[sflag:s9] =	ssyncadd.s32 $0xFFFFFC00  }
0xc6: {  	[spmem:s2] =	stream.indirect.scatter.add.f32 [tilespmem:s11], [sflag:$0x1], $0x10, s15, s10, $0xb8;
	[tilespmem:$0x5380] =	vst v63  }
0xc7: {  	_ =	swait.ge [sflag:s9], $0x400  }
0xc8: {  	[sflag:s9] =	ssyncset.done $0x0  }
0xc9: {  	[sflag:s9] =	ssyncadd.s32 $0xFFFFFC00  }
0xca: {  	[spmem:s2] =	stream.indirect.scatter.add.f32 [tilespmem:s11], [sflag:$0x1], $0x10, s16, s10, $0xb8;
	[tilespmem:$0x5380] =	vst v63  }
0xcb: {  	_ =	swait.ge [sflag:s9], $0x400  }
0xcc: {  	[sflag:s9] =	ssyncset.done $0x0  }
0xcd: {  	[sflag:s9] =	ssyncadd.s32 $0xFFFFFC00  }
0xce: {  	[spmem:s2] =	stream.indirect.scatter.add.f32 [tilespmem:s11], [sflag:$0x1], $0x10, s17, s10, $0xb8;
	[tilespmem:$0x5380] =	vst v63  }
0xcf: {  	_ =	swait.ge [sflag:s9], $0x400  }
0xd0: {  	[sflag:s9] =	ssyncset.done $0x0  }
0xd1: {  	[sflag:s9] =	ssyncadd.s32 $0xFFFFFC00  }
0xd2: {  	[spmem:s2] =	stream.indirect.scatter.add.f32 [tilespmem:s11], [sflag:$0x1], $0x10, s18, s10, $0xb8;
	[tilespmem:$0x5380] =	vst v63  }
0xd3: {  	_ =	swait.ge [sflag:s9], $0x400  }
0xd4: {  	[sflag:s9] =	ssyncset.done $0x0  }
0xd5: {  	[sflag:s9] =	ssyncadd.s32 $0xFFFFFC00  }
0xd6: {  	[spmem:s2] =	stream.indirect.scatter.add.f32 [tilespmem:s11], [sflag:$0x1], $0x10, s19, s10, $0xb8;
	[tilespmem:$0x5380] =	vst v63  }
0xd7: {  	_ =	swait.ge [sflag:s9], $0x400  }
0xd8: {  	[sflag:s9] =	ssyncset.done $0x0  }
0xd9: {  	[sflag:s9] =	ssyncadd.s32 $0xFFFFFC00  }
0xda: {  	[spmem:s2] =	stream.indirect.scatter.add.f32 [tilespmem:s11], [sflag:$0x1], $0x10, s20, s10, $0xb8;
	[tilespmem:$0x5380] =	vst v63  }
0xdb: {  	_ =	swait.ge [sflag:s9], $0x400  }
0xdc: {  	[sflag:s9] =	ssyncset.done $0x0  }
0xdd: {  	[sflag:s9] =	ssyncadd.s32 $0xFFFFFC00  }
0xde: {  	[spmem:s2] =	stream.indirect.scatter.add.f32 [tilespmem:s11], [sflag:$0x1], $0x10, s21, s10, $0xb8;
	[tilespmem:$0x5380] =	vst v63  }
0xdf: {  	_ =	swait.ge [sflag:s9], $0x400  }
0xe0: {  	[sflag:s9] =	ssyncset.done $0x0  }
0xe1: {  	[sflag:s9] =	ssyncadd.s32 $0xFFFFFC00  }
0xe2: {  	[spmem:s2] =	stream.indirect.scatter.add.f32 [tilespmem:s11], [sflag:$0x1], $0x10, s22, s10, $0xb8;
	[tilespmem:$0x5380] =	vst v63  }
0xe3: {  	_ =	swait.ge [sflag:s9], $0x400  }
0xe4: {  	[sflag:s9] =	ssyncset.done $0x0  }
0xe5: {  	[sflag:s9] =	ssyncadd.s32 $0xFFFFFC00  }
0xe6: {  	[spmem:s2] =	stream.indirect.scatter.add.f32 [tilespmem:s11], [sflag:$0x1], $0x10, s23, s10, $0xb8;
	[tilespmem:$0x5380] =	vst v63  }
0xe7: {  	_ =	swait.ge [sflag:s9], $0x400  }
0xe8: {  	[sflag:s9] =	ssyncset.done $0x0  }
0xe9: {  	[sflag:s9] =	ssyncadd.s32 $0xFFFFFC00  }
0xea: {  	[spmem:s2] =	stream.indirect.scatter.add.f32 [tilespmem:s11], [sflag:$0x1], $0x10, s24, s10, $0xb8;
	[tilespmem:$0x5380] =	vst v63  }
0xeb: {  	_ =	swait.ge [sflag:s9], $0x400  }
0xec: {  	[sflag:s9] =	ssyncset.done $0x0  }
0xed: {  	[sflag:s9] =	ssyncadd.s32 $0xFFFFFC00  }
0xee: {  	[spmem:s2] =	stream.indirect.scatter.add.f32 [tilespmem:s11], [sflag:$0x1], $0x10, s25, s10, $0xb8;
	[tilespmem:$0x5380] =	vst v63  }
0xef: {  	_ =	swait.ge [sflag:s9], $0x400  }
0xf0: {  	[sflag:s9] =	ssyncset.done $0x0  }
0xf1: {  	[sflag:s9] =	ssyncadd.s32 $0xFFFFFC00  }
0xf2: {  	[spmem:s2] =	stream.indirect.scatter.add.f32 [tilespmem:s11], [sflag:$0x1], $0x10, s26, s10, $0xb8;
	[tilespmem:$0x5380] =	vst v63  }
0xf3: {  	_ =	swait.ge [sflag:s9], $0x400  }
0xf4: {  	s30 =	sshll.u32 s0, $0x6;
	s28 =	sadd.s32 $0x1, s28;
	[sflag:s9] =	ssyncset.done $0x0  }
0xf5: {  	s31 =	sshrl.u32 s4, $0x3;
	p0 =	sne.s32 s28, s6;
	[sflag:s9] =	ssyncadd.s32 $0xFFFFFC00  }
.Ltmp3:
0xf6: {  	s1 =	sor.u32 $0x1C01, s30;
	[bflag:$0x0] =	sbarrier.arrive $0xFFFF;
	(pc) =	sbr.rel @p0 .LBB2_1-.Ltmp3, $4  }
0xf7: {  	[hbm:s5], [sflag:s1] =	dma.local [spmem:s31], $0x2780  }
0xf8: {  	_ =	swait.ge [sflag:s9], $0x2780  }
0xf9: {  	[sflag:s9] =	ssyncset.done $0x0  }
0xfa: {  	[sflag:s9] =	ssyncadd.s32 $0xFFFFD880  }
0xfb: {  	_ =	sfence.sel $0x180000  }
0xfc: {  	[bflag:$0x0] =	sbarrier.arrive $0xFFFF  }
0xfd: {  	_ =	strace $0x90000047  }
0xfe: {  	[bflag:$0x2] =	sbarrier.arrive $0xFFFF  }
0xff: {  	p0 =	sne.s32 s0, $0x0;
	s0 =	rddreg [dreg:$0x2]  }
0x100: {  	s0 =	sadd.s32 @!p0 $0x100000, s0  }
0x101: {  	[sflag:s0] =	ssyncadd.tile.s32 @!p0 $0x1;
	_ =	shalt  }
.Lfunc_end2:
_tile_overlayer_lowered:
.L_overlay_start_2:
0x102: {  	(tag) =	ssettag $0x2  }
0x103: {  	s0 =	rddreg [dreg:$0x0];
	s2 =	stileid.u32  }
0x104: {  	s1 =	rddreg [dreg:$0x1];
	p0 =	sne.s32 s2, $0x0  }
0x105: {  	s3 =	rddreg [dreg:$0x2];
	[bflag:$0x3] =	sbarrier.arrive $0xFFFF;
	s2 =	simm.s32 @!p0 $0x1C01  }
0x106: {  	[timem:s3], [sflag:s2] =	dma.local @!p0 [hbm:s0], s1  }
0x107: {  	s0 =	simm.s32 @!p0 $0x1  }
0x108: {  	_ =	swait.ge @!p0 [sflag:s0], s1  }
0x109: {  	s1 =	ssub.s32 @!p0 $0x0, s1;
	[sflag:s0] =	ssyncset.done @!p0 $0x0  }
0x10a: {  	[sflag:s0] =	ssyncadd.s32 @!p0 s1  }
0x10b: {  	[bflag:$0x3] =	sbarrier.arrive $0xFFFF  }
0x10c: {  	_ =	shalt  }

// kernel: kernel.13.cloned.1.call-start
scs
__scs_entry_jumppad:
0x0: {  	(pc) =	sbr.rel $0x88, $3  }
0x1: {  	(tag) =	ssettag $0x0;
	lr =	simm.s32 $0x1  }
0x2: {  	[smem:$0x3F96] =	sst lr;
	_ =	strace $0xD0000000  }
0x3: {  	_ = 	snop  }
0x4: {  	_ = 	snop  }
0x5: {  	_ = 	snop  }
0x6: {  	_ = 	snop  }
0x7: {  	_ = 	snop  }
__scs_overlays_trampoline_lowered:
0x8: {  	[smem:$0x3FA5] =	sst s0  }
0x9: {  	[smem:$0x3FA6] =	sst s1  }
0xa: {  	[smem:$0x3FA7] =	sst s2  }
0xb: {  	[smem:$0x3FA8] =	sst s3  }
0xc: {  	[smem:$0x3FA9] =	sst s4  }
0xd: {  	[smem:$0x3FAA] =	sst s5  }
0xe: {  	[smem:$0x3FAB] =	sst s6  }
0xf: {  	[smem:$0x3FAC] =	sst s7  }
0x10: {  	[smem:$0x3FAD] =	sst s8  }
0x11: {  	[smem:$0x3FAE] =	sst s9;
	s0 =	simm.s32 @!p0 $0x0  }
0x12: {  	s1 =	sld [smem:$0x3F94];
	s0 =	simm.s32 @p0 $0x1  }
0x13: {  	[smem:$0x3FAF] =	sst s0;
	s0 =	simm.s32 @!p1 $0x0  }
0x14: {  	s2 =	sld [smem:$0x3F93];
	s0 =	simm.s32 @p1 $0x1  }
0x15: {  	[smem:$0x3FB0] =	sst s0;
	s0 =	simm.s32 @!p2 $0x0  }
0x16: {  	s3 =	sld [smem:$0x3FDB];
	s0 =	simm.s32 @p2 $0x1  }
0x17: {  	s4 =	simm.s32 $0x1BF5;
	[smem:$0x3FB2] =	sst s0  }
0x18: {  	s0 =	sld [smem:$0x3F95];
	_ =	swait.ge [sflag:s4], $0x0  }
0x19: {  	s7 =	sld [smem:$0x3F96]  }
0x1a: {  	s8 =	sadd.s32 $0xFFFFE003, lr  }
0x1b: {  	s9 =	sadd.s32 $0xFFFFFEF7, lr;
	s5 =	simm.s32 $0xFFFFFFFF;
	p2 =	slt.u32 s8, $0xFFFFF086  }
0x1c: {  	p1 =	slt.u32 s9, $0xF7A;
	s5 =	simm.s32 @!p2 $0x0  }
0x1d: {  	s5 =	simm.s32 @p1 $0x1;
	p0 =	seq.s32 s7, s2  }
0x1e: {  	s7 =	smul.u32 @!p0 $0xF7A, s2;
	p2 =	seq.s32 @!p0 s5, $0x0  }
0x1f: {  	s9 =	smul.u32 $0xF7A, s1;
	s8 =	simm.s32 @!p0 $0x1BF5;
	p2 =	por !p2, p0  }
0x20: {  	[sflag:s8] =	ssyncset.s32 @!p0 $0xFFFFF086;
	s6 =	sadd.s32 @!p0 s3, s7;
	s7 =	simm.s32 @!p0 $0x108  }
0x21: {  	s3 =	sadd.s32 s3, s9;
	s6 =	sadd.s32 @!p0 $0x88, s6;
	s7 =	simm.s32 @p2 $0x1082  }
0x22: {  	[simem:s7], [sflag:s8] =	dma.local @!p0 [hbm:s6], $0xF7A  }
0x23: {  	s9 =	sor.u32 $0xD0000000, s2;
	s6 =	simm.s32 $0x108;
	_ =	swait.ge @!p0 [sflag:s8], $0x0  }
0x24: {  	s3 =	sadd.s32 $0x88, s3;
	s6 =	simm.s32 @!p1 $0x1082;
	[sflag:s4] =	ssyncset.s32 $0xFFFFF086  }
0x25: {  	[simem:s6], [sflag:s4] =	dma.local [hbm:s3], $0xF7A  }
0x26: {  	[smem:$0x3F96] =	sst s1;
	(tag) =	ssettag s2;
	_ =	strace s9  }
0x27: {  	s1 =	sld [smem:$0x3FA6]  }
0x28: {  	s2 =	sld [smem:$0x3FA7]  }
0x29: {  	s4 =	sld [smem:$0x3FA9]  }
0x2a: {  	p0 =	seq.s32 s5, $0x0;
	s5 =	sld [smem:$0x3FAA]  }
0x2b: {  	s6 =	sld [smem:$0x3FAB]  }
0x2c: {  	s7 =	sld [smem:$0x3FAC]  }
0x2d: {  	s3 =	simm.s32 $0x108;
	s8 =	sld [smem:$0x3FAD]  }
0x2e: {  	s3 =	simm.s32 @!p0 $0x1082;
	s9 =	sld [smem:$0x3FAE]  }
0x2f: {  	lr =	sadd.s32 s0, s3;
	s0 =	sld [smem:$0x3FA5]  }
0x30: {  	s3 =	sld [smem:$0x3FA8]  }
0x31: {  	[smem:$0x3FB1] =	sst s10  }
0x32: {  	s10 =	sld [smem:$0x3FAF];
	_ =	sdelay $0x3  }
0x33: {  	p0 =	seq.s32 s10, $0x1;
	s10 =	sld [smem:$0x3FB1];
	_ =	sdelay $0x3  }
0x34: {  	[smem:$0x3FB1] =	sst s10  }
0x35: {  	s10 =	sld [smem:$0x3FB0];
	_ =	sdelay $0x3  }
0x36: {  	p1 =	seq.s32 s10, $0x1;
	s10 =	sld [smem:$0x3FB1];
	_ =	sdelay $0x3  }
0x37: {  	[smem:$0x3FB1] =	sst s10  }
0x38: {  	s10 =	sld [smem:$0x3FB2]  }
0x39: {  	_ = 	snop;
	(pc) =	sbr.ind lr, $3  }
0x3a: {  	_ = 	snop  }
0x3b: {  	_ = 	snop  }
0x3c: {  	p2 =	seq.s32 s10, $0x1;
	s10 =	sld [smem:$0x3FB1]  }
0x3d: {  	_ =	shalt  }
0x3e: {  	_ =	shalt  }
0x3f: {  	_ =	shalt  }
0x40: {  	_ =	shalt  }
0x41: {  	_ =	shalt  }
0x42: {  	_ =	shalt  }
0x43: {  	_ =	shalt  }
0x44: {  	_ =	shalt  }
0x45: {  	_ =	shalt  }
0x46: {  	_ =	shalt  }
0x47: {  	_ =	shalt  }
0x48: {  	_ =	shalt  }
0x49: {  	_ =	shalt  }
0x4a: {  	_ =	shalt  }
0x4b: {  	_ =	shalt  }
0x4c: {  	_ =	shalt  }
0x4d: {  	_ =	shalt  }
0x4e: {  	_ =	shalt  }
0x4f: {  	_ =	shalt  }
0x50: {  	_ =	shalt  }
0x51: {  	_ =	shalt  }
0x52: {  	_ =	shalt  }
0x53: {  	_ =	shalt  }
0x54: {  	_ =	shalt  }
0x55: {  	_ =	shalt  }
0x56: {  	_ =	shalt  }
0x57: {  	_ =	shalt  }
0x58: {  	_ =	shalt  }
0x59: {  	_ =	shalt  }
0x5a: {  	_ =	shalt  }
0x5b: {  	_ =	shalt  }
0x5c: {  	_ =	shalt  }
0x5d: {  	_ =	shalt  }
0x5e: {  	_ =	shalt  }
0x5f: {  	_ =	shalt  }
0x60: {  	_ =	shalt  }
0x61: {  	_ =	shalt  }
0x62: {  	_ =	shalt  }
0x63: {  	_ =	shalt  }
0x64: {  	_ =	shalt  }
0x65: {  	_ =	shalt  }
0x66: {  	_ =	shalt  }
0x67: {  	_ =	shalt  }
0x68: {  	_ =	shalt  }
0x69: {  	_ =	shalt  }
0x6a: {  	_ =	shalt  }
0x6b: {  	_ =	shalt  }
0x6c: {  	_ =	shalt  }
0x6d: {  	_ =	shalt  }
0x6e: {  	_ =	shalt  }
0x6f: {  	_ =	shalt  }
0x70: {  	_ =	shalt  }
0x71: {  	_ =	shalt  }
0x72: {  	_ =	shalt  }
0x73: {  	_ =	shalt  }
0x74: {  	_ =	shalt  }
0x75: {  	_ =	shalt  }
0x76: {  	_ =	shalt  }
0x77: {  	_ =	shalt  }
0x78: {  	_ =	shalt  }
0x79: {  	_ =	shalt  }
0x7a: {  	_ =	shalt  }
0x7b: {  	_ =	shalt  }
0x7c: {  	_ =	shalt  }
0x7d: {  	_ =	shalt  }
0x7e: {  	_ =	shalt  }
0x7f: {  	_ =	shalt  }
0x80: {  	_ =	shalt  }
0x81: {  	_ =	shalt  }
0x82: {  	_ =	shalt  }
0x83: {  	_ =	shalt  }
0x84: {  	_ =	shalt  }
0x85: {  	_ =	shalt  }
0x86: {  	_ =	shalt  }
0x87: {  	_ =	shalt  }
.Lfunc_end0:
.L_simem_size_0:
called_computation.1_lowered:
.L_overlay_start_0:
0x88: {  	s2 =	sld [smem:$0x3FD9]  }
0x89: {  	s3 =	sld [smem:$0x3FFE];
	_ =	sdelay $0x1  }
0x8a: {  	s1 =	srdreg.scid  }
0x8b: {  	s0 =	sand.u32 $0x1, s1  }
0x8c: {  	s16 =	sshll.u32 s0, $0xA;
	s2 =	sadd.s32 s3, s2  }
0x8d: {  	s2 =	sadd.s32 s2, s16  }
0x8e: {  	[smem:$0x3FBD] =	sst s2  }
0x8f: {  	_ = 	snop  }
0x90: {  	(tm) =	ssettm $0x1  }
0x91: {  	s17 =	sld [smem:$0x3FFB];
	_ =	sdelay $0x3  }
0x92: {  	_ =	strace s17  }
0x93: {  	s2 =	sld [smem:$0x3FFC];
	_ =	sdelay $0x3  }
0x94: {  	_ =	strace s2  }
0x95: {  	s2 =	sld [smem:$0x3FFD];
	_ =	sdelay $0x3  }
0x96: {  	_ =	strace s2  }
0x97: {  	_ =	strace $0x8FFFFFFF  }
0x98: {  	s18 =	sld [smem:$0x3FDB];
	_ =	sdelay $0x1  }
0x99: {  	s19 =	simm.s32 $_scs_section_size  }
0x9a: {  	s4 =	simm.s32 $_size__tile_overlayer_lowered;
	s5 =	simm.s32 $_tile_overlayer_lowered  }
0x9b: {  	s22 =	simm.s32 $0x1BFF;
	s21 =	sshll.u32 s5, $0x1;
	s2 =	sadd.s32 s19, s18  }
0x9c: {  	s6 =	simm.s32 $0x0;
	s20 =	sshll.u32 s4, $0x1;
	s4 =	sadd.s32 s21, s2  }
0x9d: {  	[timem:s6], [sflag:s22] =	dma.local [hbm:s4], s20  }
0x9e: {  	_ =	swait.ge [sflag:s22], s20  }
0x9f: {  	s3 =	ssub.s32 $0x0, s20;
	[sflag:s22] =	ssyncset.done $0x0  }
0xa0: {  	[sflag:s22] =	ssyncadd.s32 s3;
	_ =	sdelay $0x1  }
0xa1: {  	s23 =	simm.s32 $0x1B8B  }
0xa2: {  	_ =	swait.ge [sflag:s23], $0x1  }
0xa3: {  	[sflag:s23] =	ssyncset.done $0x0  }
0xa4: {  	s25 =	simm.s32 $0x1B8E;
	s24 =	sld [smem:$0x3FFE];
	[sflag:s23] =	ssyncadd.s32 $0xFFFFFFFF  }
0xa5: {  	s26 =	simm.s32 $execute0_lowered;
	[smem:$0x3FD2] =	sst s25  }
0xa6: {  	s4 =	sshll.u32 s26, $0x1;
	_ =	strace $0x80000049;
	[dreg:$0x1] =	wrdreg $0xFFFFFFFF  }
0xa7: {  	s28 =	simm.s32 $_size_execute0_lowered;
	s2 =	sadd.s32 s2, s4;
	[dreg:$0x0] =	wrdreg $0x0  }
0xa8: {  	s4 =	sshll.u32 s28, $0x1;
	[dreg:$0x2] =	wrdreg s2  }
0xa9: {  	[dreg:$0x3] =	wrdreg s4  }
0xaa: {  	[dreg:$0x4] =	wrdreg $0xC0  }
0xab: {  	_ =	task [dreg:s6], $0x5FFFF  }
0xac: {  	[dreg:$0x1] =	wrdreg $0xFFFFFFFF  }
0xad: {  	[dreg:$0x0] =	wrdreg $0x60  }
0xae: {  	[dreg:$0x2] =	wrdreg s24  }
0xaf: {  	[dreg:$0x3] =	wrdreg $0x30000  }
0xb0: {  	[dreg:$0x4] =	wrdreg $0x9  }
0xb1: {  	_ =	task.clear_ibuf [dreg:s6], $0x5FFFF;
	_ =	strace $0x90000049  }
0xb2: {  	s29 =	simm.s32 $0x9;
	_ =	strace $0x8000004B  }
0xb3: {  	_ =	swait.ge [sflag:s29], $0x1  }
0xb4: {  	[sflag:s29] =	ssyncadd.s32 $0xFFFFFFFF  }
0xb5: {  	_ =	strace $0x9000004B  }
0xb6: {  	_ =	sfence  }
0xb7: {  	s30 =	sld [smem:$0x0];
	_ =	sdelay $0x2  }
0xb8: {  	s31 =	sshll.u32 s1, $0xD;
	s1 =	sshrl.u32 s1, $0x2  }
0xb9: {  	s3 =	sand.u32 $0x4000, s31;
	s1 =	sadd.s32 s1, s30  }
0xba: {  	s0 =	sor.u32 s3, s0;
	s1 =	sshll.u32 s1, $0x11  }
0xbb: {  	s0 =	sor.u32 s1, s0  }
0xbc: {  	s0 =	sadd.s32 $0x8F2B, s0  }
0xbd: {  	[sflag:s0] =	ssyncadd.remote.s32 $0x1  }
0xbe: {  	_ =	sfence.sel $0xFFFF  }
0xbf: {  	[dreg:$0x0] =	wrdreg $0xFFFFFFFF;
	(pc) =	sbr.abs _section_cstart, $3  }
0xc0: {  	[dreg:$0x1] =	wrdreg $0xFFFFFFFF  }
0xc1: {  	_ =	task.clear_ibuf [dreg:s6], $0x2FFFF;
	_ =	strace $0x9FFFFFFF  }
0xc2: {  	(tm) =	ssettm $0x7FFFFFFF  }
0xc3: {  	_ =	shalt  }
tec
execute0_lowered:
.L_overlay_start_1:
0x0: {  	(tag) =	ssettag $0x1  }
0x1: {  	s7 =	rddreg [dreg:$0x0]  }
0x2: {  	s1 =	rddreg [dreg:$0x1]  }
0x3: {  	s2 =	srdreg.scid;
	s0 =	rddreg [dreg:$0x2];
	s3 =	simm.s32 $0x0  }
0x4: {  	s12 =	simm.s32 $0x1;
	s13 =	simm.s32 $0x800;
	s8 =	sand.u32 $0x1, s2  }
0x5: {  	s14 =	simm.s32 $0x40;
	s2 =	stileid.u32;
	s6 =	smul.u32 $0x13C000, s8  }
0x6: {  	[smem:$0x7FF] =	sst s3;
	s4 =	sadd.s32 $0x17A00, s7;
	s9 =	smul.u32 $0x13C00, s2  }
0x7: {  	s5 =	sadd.s32 $0x66A00, s7;
	_ =	strace $0x8000004A;
	s10 =	smul.u32 $0x4F000, s2  }
0x8: {  	s31 =	ssub.s32 $0x2, s8;
	s8 =	sshll.u32 s8, $0x4;
	s15 =	sshll.u32 s2, $0x6  }
0x9: {  	s11 =	sshrl.u32 s31, $0x1;
	s8 =	sor.u32 s2, s8;
	s15 =	sor.u32 $0x1C01, s15  }
0xa: {  	s9 =	sadd.s32 s9, s6;
	s6 =	sadd.s32 $0x3A00, s7;
	s10 =	sshrl.u32 s10, $0x2  }
0xb: {  	s11 =	ssub.s32 s31, s11;
	s8 =	smul.u32 $0x5000, s8;
	s9 =	sshrl.u32 s9, $0x3  }
0xc: {  	s9 =	sadd.s32 s9, s7;
	s7 =	sadd.s32 s10, s1;
	s10 =	smax.u32 s11, $0x1  }
0xd: {  	v0 =	vimm.f32 $0.0e+00;
	s11 =	simm.s32 $0x1000;
	s9 =	sadd.s32 $0x7AA00, s9;
	s16 =	sshrl.u32 s7, $0x3  }
.LBB2_1:
0xe: {  	[tilespmem:$0x1000] =	vst v0  }
0xf: {  	[tilespmem:$0x1010] =	vst v0  }
0x10: {  	[tilespmem:$0x1020] =	vst v0  }
0x11: {  	[tilespmem:$0x1030] =	vst v0  }
0x12: {  	[tilespmem:$0x1040] =	vst v0  }
0x13: {  	[tilespmem:$0x1050] =	vst v0  }
0x14: {  	[tilespmem:$0x1060] =	vst v0  }
0x15: {  	[tilespmem:$0x1070] =	vst v0  }
0x16: {  	[tilespmem:$0x1080] =	vst v0  }
0x17: {  	[tilespmem:$0x1090] =	vst v0  }
0x18: {  	[tilespmem:$0x10A0] =	vst v0  }
0x19: {  	[tilespmem:$0x10B0] =	vst v0  }
0x1a: {  	[tilespmem:$0x10C0] =	vst v0  }
0x1b: {  	[tilespmem:$0x10D0] =	vst v0  }
0x1c: {  	[tilespmem:$0x10E0] =	vst v0  }
0x1d: {  	[tilespmem:$0x10F0] =	vst v0  }
0x1e: {  	[tilespmem:$0x1100] =	vst v0  }
0x1f: {  	[tilespmem:$0x1110] =	vst v0  }
0x20: {  	[tilespmem:$0x1120] =	vst v0  }
0x21: {  	[tilespmem:$0x1130] =	vst v0  }
0x22: {  	[tilespmem:$0x1140] =	vst v0  }
0x23: {  	[tilespmem:$0x1150] =	vst v0  }
0x24: {  	[tilespmem:$0x1160] =	vst v0  }
0x25: {  	[tilespmem:$0x1170] =	vst v0  }
0x26: {  	[tilespmem:$0x1180] =	vst v0  }
0x27: {  	[tilespmem:$0x1190] =	vst v0  }
0x28: {  	[tilespmem:$0x11A0] =	vst v0  }
0x29: {  	[tilespmem:$0x11B0] =	vst v0  }
0x2a: {  	[tilespmem:$0x11C0] =	vst v0  }
0x2b: {  	[tilespmem:$0x11D0] =	vst v0  }
0x2c: {  	[tilespmem:$0x11E0] =	vst v0  }
0x2d: {  	[tilespmem:$0x11F0] =	vst v0  }
0x2e: {  	[tilespmem:$0x1200] =	vst v0  }
0x2f: {  	[tilespmem:$0x1210] =	vst v0  }
0x30: {  	[tilespmem:$0x1220] =	vst v0  }
0x31: {  	[tilespmem:$0x1230] =	vst v0  }
0x32: {  	[tilespmem:$0x1240] =	vst v0  }
0x33: {  	[tilespmem:$0x1250] =	vst v0  }
0x34: {  	[tilespmem:$0x1260] =	vst v0  }
0x35: {  	[tilespmem:$0x1270] =	vst v0  }
0x36: {  	[tilespmem:$0x1280] =	vst v0  }
0x37: {  	[tilespmem:$0x1290] =	vst v0  }
0x38: {  	[tilespmem:$0x12A0] =	vst v0  }
0x39: {  	[tilespmem:$0x12B0] =	vst v0  }
0x3a: {  	[tilespmem:$0x12C0] =	vst v0  }
0x3b: {  	[tilespmem:$0x12D0] =	vst v0  }
0x3c: {  	[tilespmem:$0x12E0] =	vst v0  }
0x3d: {  	[tilespmem:$0x12F0] =	vst v0  }
0x3e: {  	[tilespmem:$0x1300] =	vst v0  }
0x3f: {  	[tilespmem:$0x1310] =	vst v0  }
0x40: {  	[tilespmem:$0x1320] =	vst v0  }
0x41: {  	[tilespmem:$0x1330] =	vst v0  }
0x42: {  	[tilespmem:$0x1340] =	vst v0  }
0x43: {  	[tilespmem:$0x1350] =	vst v0  }
0x44: {  	[tilespmem:$0x1360] =	vst v0  }
0x45: {  	[tilespmem:$0x1370] =	vst v0  }
0x46: {  	[tilespmem:$0x1380] =	vst v0  }
0x47: {  	[tilespmem:$0x1390] =	vst v0  }
0x48: {  	[tilespmem:$0x13A0] =	vst v0  }
0x49: {  	[tilespmem:$0x13B0] =	vst v0  }
0x4a: {  	[tilespmem:$0x13C0] =	vst v0  }
0x4b: {  	[tilespmem:$0x13D0] =	vst v0  }
0x4c: {  	[tilespmem:$0x13E0] =	vst v0  }
0x4d: {  	[tilespmem:$0x13F0] =	vst v0;
	s17 =	sadd.s32 $0x0, s7  }
0x4e: {  	[spmem:s17] =	stream.linear.scatter [tilespmem:s11], [sflag:$0x1], $0x400, $0x38;
	[tilespmem:$0x16C00] =	vst v63  }
0x4f: {  	s17 =	simm.s32 $0x1000;
	_ =	swait.ge [sflag:s12], $0x400  }
.LBB2_2:
0x50: {  	s18 =	sshra.s32 s17, $0x2;
	[sflag:s12] =	ssyncset.done $0x0;
	p0 =	sne.s32 s17, $0x4E000  }
.Ltmp0:
0x51: {  	s18 =	sadd.s32 s18, s7;
	[sflag:s12] =	ssyncadd.s32 $0xFFFFFC00;
	(pc) =	sbr.rel @p0 .LBB2_2-.Ltmp0, $3  }
0x52: {  	[spmem:s18] =	stream.linear.scatter [tilespmem:s11], [sflag:$0x1], $0x400, $0x38;
	[tilespmem:$0x16C00] =	vst v63  }
0x53: {  	s17 =	sadd.s32 $0x1000, s17;
	_ =	sdelay $0x1  }
0x54: {  	_ =	swait.ge [sflag:s12], $0x400  }
0x55: {  	[sflag:s12] =	ssyncset.done $0x0  }
0x56: {  	[sflag:s12] =	ssyncadd.s32 $0xFFFFFC00  }
0x57: {  	s17 =	simm.s32 $0x0;
	s18 =	simm.s32 $0x0;
	[bflag:$0x0] =	sbarrier.arrive $0xFFFF  }
.LBB2_4:
0x58: {  	s19 =	sshll.u32 s18, $0xB  }
0x59: {  	s19 =	sadd.s32 s8, s19  }
0x5a: {  	s19 =	sshrl.u32 s19, $0x3  }
0x5b: {  	s20 =	sadd.s32 s5, s19  }
0x5c: {  	[tilespmem:s17], [sflag:$0x1] =	stream.linear.gather [hbm4b:s20+s17], $0x800, $0x38;
	[tilespmem:$0x16C00] =	vst v63  }
0x5d: {  	_ =	swait.ge [sflag:s12], $0x800  }
0x5e: {  	[sflag:s12] =	ssyncset.done $0x0  }
0x5f: {  	s19 =	sadd.s32 s6, s19;
	[sflag:s12] =	ssyncadd.s32 $0xFFFFF800  }
0x60: {  	[tilespmem:s13], [sflag:$0x1] =	stream.linear.gather [hbm4b:s19+s17], $0x800, $0x38;
	[tilespmem:$0x16C00] =	vst v63  }
0x61: {  	_ =	swait.ge [sflag:s12], $0x800  }
0x62: {  	[sflag:s12] =	ssyncset.done $0x0  }
0x63: {  	s30 =	simm.s32 $0x0;
	[sflag:s12] =	ssyncadd.s32 $0xFFFFF800  }
0x64: {  	[tilespmem:s11], [sflag:$0x1] =	stream.indirect.gather [hbm4b:s4+s14], $0x80, s30, s14, $0xb8;
	[tilespmem:$0x16C00] =	vst v63  }
0x65: {  	_ =	swait.ge [sflag:s12], $0x2000  }
0x66: {  	[sflag:s12] =	ssyncset.done $0x0  }
0x67: {  	s31 =	simm.s32 $0x800;
	[sflag:s12] =	ssyncadd.s32 $0xFFFFE000  }
0x68: {  	[spmem:s1] =	stream.indirect.scatter.add.f32 [tilespmem:s11], [sflag:$0x1], $0x80, s31, s14, $0xb8;
	[tilespmem:$0x16C00] =	vst v63  }
0x69: {  	_ =	swait.ge [sflag:s12], $0x2000  }
0x6a: {  	s20 =	simm.s32 $0x400;
	s19 =	simm.s32 $0x200;
	[sflag:s12] =	ssyncset.done $0x0  }
.LBB2_5:
0x6b: {  	s21 =	sshra.s32 s19, $0x2  }
0x6c: {  	[sflag:s12] =	ssyncadd.s32 $0xFFFFE000;
	s19 =	smov.u32 s20;
	s22 =	sadd.s32 $0x200, s20  }
0x6d: {  	[tilespmem:s11], [sflag:$0x1] =	stream.indirect.gather [hbm4b:s4+s14], $0x80, s21, s14, $0xb8;
	[tilespmem:$0x16C00] =	vst v63  }
0x6e: {  	p0 =	sne.s32 s20, $0x1E00;
	_ =	swait.ge [sflag:s12], $0x2000  }
.Ltmp1:
0x6f: {  	[sflag:s12] =	ssyncset.done $0x0;
	(pc) =	sbr.rel @p0 .LBB2_5-.Ltmp1, $4  }
0x70: {  	s20 =	sadd.s32 $0x800, s21;
	[sflag:s12] =	ssyncadd.s32 $0xFFFFE000  }
0x71: {  	[spmem:s1] =	stream.indirect.scatter.add.f32 [tilespmem:s11], [sflag:$0x1], $0x80, s20, s14, $0xb8;
	[tilespmem:$0x16C00] =	vst v63  }
0x72: {  	_ =	swait.ge [sflag:s12], $0x2000  }
0x73: {  	s20 =	smov.u32 s22;
	[sflag:s12] =	ssyncset.done $0x0  }
0x74: {  	s19 =	sshra.s32 s19, $0x2;
	[sflag:s12] =	ssyncadd.s32 $0xFFFFE000  }
0x75: {  	[tilespmem:s11], [sflag:$0x1] =	stream.indirect.gather [hbm4b:s4+s14], $0x80, s19, s14, $0xb8;
	[tilespmem:$0x16C00] =	vst v63  }
0x76: {  	s18 =	sadd.s32 $0x1, s18;
	_ =	swait.ge [sflag:s12], $0x2000  }
0x77: {  	p0 =	sne.s32 s18, $0xA;
	[sflag:s12] =	ssyncset.done $0x0  }
.Ltmp2:
0x78: {  	s19 =	sadd.s32 $0x800, s19;
	[sflag:s12] =	ssyncadd.s32 $0xFFFFE000;
	(pc) =	sbr.rel @p0 .LBB2_4-.Ltmp2, $4  }
0x79: {  	[spmem:s1] =	stream.indirect.scatter.add.f32 [tilespmem:s11], [sflag:$0x1], $0x80, s19, s14, $0xb8;
	[tilespmem:$0x16C00] =	vst v63  }
0x7a: {  	_ =	swait.ge [sflag:s12], $0x2000  }
0x7b: {  	[sflag:s12] =	ssyncset.done $0x0  }
0x7c: {  	[sflag:s12] =	ssyncadd.s32 $0xFFFFE000  }
0x7d: {  	s3 =	sadd.s32 $0x1, s3  }
0x7e: {  	p0 =	sne.s32 s3, s10  }
.Ltmp3:
0x7f: {  	[bflag:$0x0] =	sbarrier.arrive $0xFFFF;
	(pc) =	sbr.rel @p0 .LBB2_1-.Ltmp3, $4  }
0x80: {  	[hbm:s9], [sflag:s15] =	dma.local [spmem:s16], $0x2780  }
0x81: {  	_ =	swait.ge [sflag:s12], $0x2780  }
0x82: {  	[sflag:s12] =	ssyncset.done $0x0  }
0x83: {  	[sflag:s12] =	ssyncadd.s32 $0xFFFFD880  }
0x84: {  	_ =	sfence.sel $0x180000  }
0x85: {  	[bflag:$0x0] =	sbarrier.arrive $0xFFFF  }
0x86: {  	p0 =	sne.s32 s2, $0x0;
	_ =	strace $0x9000004A  }
0x87: {  	s0 =	sadd.s32 @!p0 $0x100000, s0;
	[bflag:$0x2] =	sbarrier.arrive $0xFFFF  }
0x88: {  	[sflag:s0] =	ssyncadd.tile.s32 @!p0 $0x1;
	_ =	shalt  }
.Lfunc_end2:
_tile_overlayer_lowered:
.L_overlay_start_2:
0x89: {  	(tag) =	ssettag $0x2  }
0x8a: {  	s0 =	rddreg [dreg:$0x0];
	s2 =	stileid.u32  }
0x8b: {  	s1 =	rddreg [dreg:$0x1];
	p0 =	sne.s32 s2, $0x0  }
0x8c: {  	s3 =	rddreg [dreg:$0x2];
	[bflag:$0x3] =	sbarrier.arrive $0xFFFF;
	s2 =	simm.s32 @!p0 $0x1C01  }
0x8d: {  	[timem:s3], [sflag:s2] =	dma.local @!p0 [hbm:s0], s1  }
0x8e: {  	s0 =	simm.s32 @!p0 $0x1  }
0x8f: {  	_ =	swait.ge @!p0 [sflag:s0], s1  }
0x90: {  	s1 =	ssub.s32 @!p0 $0x0, s1;
	[sflag:s0] =	ssyncset.done @!p0 $0x0  }
0x91: {  	[sflag:s0] =	ssyncadd.s32 @!p0 s1  }
0x92: {  	[bflag:$0x3] =	sbarrier.arrive $0xFFFF  }
0x93: {  	_ =	shalt  }

// kernel: kernel.16.cloned.1.call-start
scs
__scs_entry_jumppad:
0x0: {  	(pc) =	sbr.rel $0x88, $3  }
0x1: {  	(tag) =	ssettag $0x0;
	lr =	simm.s32 $0x1  }
0x2: {  	[smem:$0x3F96] =	sst lr;
	_ =	strace $0xD0000000  }
0x3: {  	_ = 	snop  }
0x4: {  	_ = 	snop  }
0x5: {  	_ = 	snop  }
0x6: {  	_ = 	snop  }
0x7: {  	_ = 	snop  }
__scs_overlays_trampoline_lowered:
0x8: {  	[smem:$0x3FA5] =	sst s0  }
0x9: {  	[smem:$0x3FA6] =	sst s1  }
0xa: {  	[smem:$0x3FA7] =	sst s2  }
0xb: {  	[smem:$0x3FA8] =	sst s3  }
0xc: {  	[smem:$0x3FA9] =	sst s4  }
0xd: {  	[smem:$0x3FAA] =	sst s5  }
0xe: {  	[smem:$0x3FAB] =	sst s6  }
0xf: {  	[smem:$0x3FAC] =	sst s7  }
0x10: {  	[smem:$0x3FAD] =	sst s8  }
0x11: {  	[smem:$0x3FAE] =	sst s9;
	s0 =	simm.s32 @!p0 $0x0  }
0x12: {  	s1 =	sld [smem:$0x3F94];
	s0 =	simm.s32 @p0 $0x1  }
0x13: {  	[smem:$0x3FAF] =	sst s0;
	s0 =	simm.s32 @!p1 $0x0  }
0x14: {  	s2 =	sld [smem:$0x3F93];
	s0 =	simm.s32 @p1 $0x1  }
0x15: {  	[smem:$0x3FB0] =	sst s0;
	s0 =	simm.s32 @!p2 $0x0  }
0x16: {  	s3 =	sld [smem:$0x3FDB];
	s0 =	simm.s32 @p2 $0x1  }
0x17: {  	s4 =	simm.s32 $0x1BF5;
	[smem:$0x3FB2] =	sst s0  }
0x18: {  	s0 =	sld [smem:$0x3F95];
	_ =	swait.ge [sflag:s4], $0x0  }
0x19: {  	s7 =	sld [smem:$0x3F96]  }
0x1a: {  	s8 =	sadd.s32 $0xFFFFE003, lr  }
0x1b: {  	s9 =	sadd.s32 $0xFFFFFEF7, lr;
	s5 =	simm.s32 $0xFFFFFFFF;
	p2 =	slt.u32 s8, $0xFFFFF086  }
0x1c: {  	p1 =	slt.u32 s9, $0xF7A;
	s5 =	simm.s32 @!p2 $0x0  }
0x1d: {  	s5 =	simm.s32 @p1 $0x1;
	p0 =	seq.s32 s7, s2  }
0x1e: {  	s7 =	smul.u32 @!p0 $0xF7A, s2;
	p2 =	seq.s32 @!p0 s5, $0x0  }
0x1f: {  	s9 =	smul.u32 $0xF7A, s1;
	s8 =	simm.s32 @!p0 $0x1BF5;
	p2 =	por !p2, p0  }
0x20: {  	[sflag:s8] =	ssyncset.s32 @!p0 $0xFFFFF086;
	s6 =	sadd.s32 @!p0 s3, s7;
	s7 =	simm.s32 @!p0 $0x108  }
0x21: {  	s3 =	sadd.s32 s3, s9;
	s6 =	sadd.s32 @!p0 $0x88, s6;
	s7 =	simm.s32 @p2 $0x1082  }
0x22: {  	[simem:s7], [sflag:s8] =	dma.local @!p0 [hbm:s6], $0xF7A  }
0x23: {  	s9 =	sor.u32 $0xD0000000, s2;
	s6 =	simm.s32 $0x108;
	_ =	swait.ge @!p0 [sflag:s8], $0x0  }
0x24: {  	s3 =	sadd.s32 $0x88, s3;
	s6 =	simm.s32 @!p1 $0x1082;
	[sflag:s4] =	ssyncset.s32 $0xFFFFF086  }
0x25: {  	[simem:s6], [sflag:s4] =	dma.local [hbm:s3], $0xF7A  }
0x26: {  	[smem:$0x3F96] =	sst s1;
	(tag) =	ssettag s2;
	_ =	strace s9  }
0x27: {  	s1 =	sld [smem:$0x3FA6]  }
0x28: {  	s2 =	sld [smem:$0x3FA7]  }
0x29: {  	s4 =	sld [smem:$0x3FA9]  }
0x2a: {  	p0 =	seq.s32 s5, $0x0;
	s5 =	sld [smem:$0x3FAA]  }
0x2b: {  	s6 =	sld [smem:$0x3FAB]  }
0x2c: {  	s7 =	sld [smem:$0x3FAC]  }
0x2d: {  	s3 =	simm.s32 $0x108;
	s8 =	sld [smem:$0x3FAD]  }
0x2e: {  	s3 =	simm.s32 @!p0 $0x1082;
	s9 =	sld [smem:$0x3FAE]  }
0x2f: {  	lr =	sadd.s32 s0, s3;
	s0 =	sld [smem:$0x3FA5]  }
0x30: {  	s3 =	sld [smem:$0x3FA8]  }
0x31: {  	[smem:$0x3FB1] =	sst s10  }
0x32: {  	s10 =	sld [smem:$0x3FAF];
	_ =	sdelay $0x3  }
0x33: {  	p0 =	seq.s32 s10, $0x1;
	s10 =	sld [smem:$0x3FB1];
	_ =	sdelay $0x3  }
0x34: {  	[smem:$0x3FB1] =	sst s10  }
0x35: {  	s10 =	sld [smem:$0x3FB0];
	_ =	sdelay $0x3  }
0x36: {  	p1 =	seq.s32 s10, $0x1;
	s10 =	sld [smem:$0x3FB1];
	_ =	sdelay $0x3  }
0x37: {  	[smem:$0x3FB1] =	sst s10  }
0x38: {  	s10 =	sld [smem:$0x3FB2]  }
0x39: {  	_ = 	snop;
	(pc) =	sbr.ind lr, $3  }
0x3a: {  	_ = 	snop  }
0x3b: {  	_ = 	snop  }
0x3c: {  	p2 =	seq.s32 s10, $0x1;
	s10 =	sld [smem:$0x3FB1]  }
0x3d: {  	_ =	shalt  }
0x3e: {  	_ =	shalt  }
0x3f: {  	_ =	shalt  }
0x40: {  	_ =	shalt  }
0x41: {  	_ =	shalt  }
0x42: {  	_ =	shalt  }
0x43: {  	_ =	shalt  }
0x44: {  	_ =	shalt  }
0x45: {  	_ =	shalt  }
0x46: {  	_ =	shalt  }
0x47: {  	_ =	shalt  }
0x48: {  	_ =	shalt  }
0x49: {  	_ =	shalt  }
0x4a: {  	_ =	shalt  }
0x4b: {  	_ =	shalt  }
0x4c: {  	_ =	shalt  }
0x4d: {  	_ =	shalt  }
0x4e: {  	_ =	shalt  }
0x4f: {  	_ =	shalt  }
0x50: {  	_ =	shalt  }
0x51: {  	_ =	shalt  }
0x52: {  	_ =	shalt  }
0x53: {  	_ =	shalt  }
0x54: {  	_ =	shalt  }
0x55: {  	_ =	shalt  }
0x56: {  	_ =	shalt  }
0x57: {  	_ =	shalt  }
0x58: {  	_ =	shalt  }
0x59: {  	_ =	shalt  }
0x5a: {  	_ =	shalt  }
0x5b: {  	_ =	shalt  }
0x5c: {  	_ =	shalt  }
0x5d: {  	_ =	shalt  }
0x5e: {  	_ =	shalt  }
0x5f: {  	_ =	shalt  }
0x60: {  	_ =	shalt  }
0x61: {  	_ =	shalt  }
0x62: {  	_ =	shalt  }
0x63: {  	_ =	shalt  }
0x64: {  	_ =	shalt  }
0x65: {  	_ =	shalt  }
0x66: {  	_ =	shalt  }
0x67: {  	_ =	shalt  }
0x68: {  	_ =	shalt  }
0x69: {  	_ =	shalt  }
0x6a: {  	_ =	shalt  }
0x6b: {  	_ =	shalt  }
0x6c: {  	_ =	shalt  }
0x6d: {  	_ =	shalt  }
0x6e: {  	_ =	shalt  }
0x6f: {  	_ =	shalt  }
0x70: {  	_ =	shalt  }
0x71: {  	_ =	shalt  }
0x72: {  	_ =	shalt  }
0x73: {  	_ =	shalt  }
0x74: {  	_ =	shalt  }
0x75: {  	_ =	shalt  }
0x76: {  	_ =	shalt  }
0x77: {  	_ =	shalt  }
0x78: {  	_ =	shalt  }
0x79: {  	_ =	shalt  }
0x7a: {  	_ =	shalt  }
0x7b: {  	_ =	shalt  }
0x7c: {  	_ =	shalt  }
0x7d: {  	_ =	shalt  }
0x7e: {  	_ =	shalt  }
0x7f: {  	_ =	shalt  }
0x80: {  	_ =	shalt  }
0x81: {  	_ =	shalt  }
0x82: {  	_ =	shalt  }
0x83: {  	_ =	shalt  }
0x84: {  	_ =	shalt  }
0x85: {  	_ =	shalt  }
0x86: {  	_ =	shalt  }
0x87: {  	_ =	shalt  }
.Lfunc_end0:
.L_simem_size_0:
called_computation.2_lowered:
.L_overlay_start_0:
0x88: {  	s2 =	sld [smem:$0x3FD9]  }
0x89: {  	s3 =	sld [smem:$0x3FFE];
	_ =	sdelay $0x1  }
0x8a: {  	s1 =	srdreg.scid  }
0x8b: {  	s0 =	sand.u32 $0x1, s1  }
0x8c: {  	s16 =	sshll.u32 s0, $0xA;
	s2 =	sadd.s32 s3, s2  }
0x8d: {  	s2 =	sadd.s32 s2, s16  }
0x8e: {  	[smem:$0x3FBD] =	sst s2  }
0x8f: {  	_ = 	snop  }
0x90: {  	(tm) =	ssettm $0x1  }
0x91: {  	s17 =	sld [smem:$0x3FFB];
	_ =	sdelay $0x3  }
0x92: {  	_ =	strace s17  }
0x93: {  	s2 =	sld [smem:$0x3FFC];
	_ =	sdelay $0x3  }
0x94: {  	_ =	strace s2  }
0x95: {  	s2 =	sld [smem:$0x3FFD];
	_ =	sdelay $0x3  }
0x96: {  	_ =	strace s2  }
0x97: {  	_ =	strace $0x8FFFFFFF  }
0x98: {  	s18 =	sld [smem:$0x3FDB];
	_ =	sdelay $0x1  }
0x99: {  	s19 =	simm.s32 $_scs_section_size  }
0x9a: {  	s4 =	simm.s32 $_size__tile_overlayer_lowered;
	s5 =	simm.s32 $_tile_overlayer_lowered  }
0x9b: {  	s22 =	simm.s32 $0x1BFF;
	s21 =	sshll.u32 s5, $0x1;
	s2 =	sadd.s32 s19, s18  }
0x9c: {  	s6 =	simm.s32 $0x0;
	s20 =	sshll.u32 s4, $0x1;
	s4 =	sadd.s32 s21, s2  }
0x9d: {  	[timem:s6], [sflag:s22] =	dma.local [hbm:s4], s20  }
0x9e: {  	_ =	swait.ge [sflag:s22], s20  }
0x9f: {  	s3 =	ssub.s32 $0x0, s20;
	[sflag:s22] =	ssyncset.done $0x0  }
0xa0: {  	[sflag:s22] =	ssyncadd.s32 s3;
	_ =	sdelay $0x1  }
0xa1: {  	s23 =	simm.s32 $0x1B8B  }
0xa2: {  	_ =	swait.ge [sflag:s23], $0x1  }
0xa3: {  	[sflag:s23] =	ssyncset.done $0x0  }
0xa4: {  	s25 =	simm.s32 $0x1B8E;
	s24 =	sld [smem:$0x3FFE];
	[sflag:s23] =	ssyncadd.s32 $0xFFFFFFFF  }
0xa5: {  	s26 =	simm.s32 $execute0_lowered;
	[smem:$0x3FD2] =	sst s25  }
0xa6: {  	s4 =	sshll.u32 s26, $0x1;
	_ =	strace $0x8000004C;
	[dreg:$0x1] =	wrdreg $0xFFFFFFFF  }
0xa7: {  	s28 =	simm.s32 $_size_execute0_lowered;
	s2 =	sadd.s32 s2, s4;
	[dreg:$0x0] =	wrdreg $0x0  }
0xa8: {  	s4 =	sshll.u32 s28, $0x1;
	[dreg:$0x2] =	wrdreg s2  }
0xa9: {  	[dreg:$0x3] =	wrdreg s4  }
0xaa: {  	[dreg:$0x4] =	wrdreg $0xC0  }
0xab: {  	_ =	task [dreg:s6], $0x5FFFF  }
0xac: {  	[dreg:$0x1] =	wrdreg $0xFFFFFFFF  }
0xad: {  	[dreg:$0x0] =	wrdreg $0x60  }
0xae: {  	[dreg:$0x2] =	wrdreg s24  }
0xaf: {  	[dreg:$0x3] =	wrdreg $0x30000  }
0xb0: {  	[dreg:$0x4] =	wrdreg $0x9  }
0xb1: {  	_ =	task.clear_ibuf [dreg:s6], $0x5FFFF;
	_ =	strace $0x9000004C  }
0xb2: {  	s29 =	simm.s32 $0x9;
	_ =	strace $0x8000004E  }
0xb3: {  	_ =	swait.ge [sflag:s29], $0x1  }
0xb4: {  	[sflag:s29] =	ssyncadd.s32 $0xFFFFFFFF  }
0xb5: {  	_ =	strace $0x9000004E  }
0xb6: {  	_ =	sfence  }
0xb7: {  	s30 =	sld [smem:$0x0];
	_ =	sdelay $0x2  }
0xb8: {  	s31 =	sshll.u32 s1, $0xD;
	s1 =	sshrl.u32 s1, $0x2  }
0xb9: {  	s3 =	sand.u32 $0x4000, s31;
	s1 =	sadd.s32 s1, s30  }
0xba: {  	s0 =	sor.u32 s3, s0;
	s1 =	sshll.u32 s1, $0x11  }
0xbb: {  	s0 =	sor.u32 s1, s0  }
0xbc: {  	s0 =	sadd.s32 $0x8F2B, s0  }
0xbd: {  	[sflag:s0] =	ssyncadd.remote.s32 $0x1  }
0xbe: {  	_ =	sfence.sel $0xFFFF  }
0xbf: {  	[dreg:$0x0] =	wrdreg $0xFFFFFFFF;
	(pc) =	sbr.abs _section_cstart, $3  }
0xc0: {  	[dreg:$0x1] =	wrdreg $0xFFFFFFFF  }
0xc1: {  	_ =	task.clear_ibuf [dreg:s6], $0x2FFFF;
	_ =	strace $0x9FFFFFFF  }
0xc2: {  	(tm) =	ssettm $0x7FFFFFFF  }
0xc3: {  	_ =	shalt  }
tec
execute0_lowered:
.L_overlay_start_1:
0x0: {  	(tag) =	ssettag $0x1  }
0x1: {  	s7 =	rddreg [dreg:$0x0]  }
0x2: {  	s1 =	rddreg [dreg:$0x1]  }
0x3: {  	s2 =	srdreg.scid;
	s0 =	rddreg [dreg:$0x2];
	s3 =	simm.s32 $0x0  }
0x4: {  	s12 =	simm.s32 $0x1;
	s13 =	simm.s32 $0x800;
	s8 =	sand.u32 $0x1, s2  }
0x5: {  	s14 =	simm.s32 $0x40;
	s2 =	stileid.u32;
	s6 =	smul.u32 $0x13C000, s8  }
0x6: {  	[smem:$0x7FF] =	sst s3;
	s4 =	sadd.s32 $0x17A00, s7;
	s9 =	smul.u32 $0x13C00, s2  }
0x7: {  	s5 =	sadd.s32 $0x66A00, s7;
	_ =	strace $0x8000004D;
	s10 =	smul.u32 $0x4F000, s2  }
0x8: {  	s31 =	ssub.s32 $0x2, s8;
	s8 =	sshll.u32 s8, $0x4;
	s15 =	sshll.u32 s2, $0x6  }
0x9: {  	s11 =	sshrl.u32 s31, $0x1;
	s8 =	sor.u32 s2, s8;
	s15 =	sor.u32 $0x1C01, s15  }
0xa: {  	s9 =	sadd.s32 s9, s6;
	s6 =	sadd.s32 $0x3A00, s7;
	s10 =	sshrl.u32 s10, $0x2  }
0xb: {  	s11 =	ssub.s32 s31, s11;
	s8 =	smul.u32 $0x5000, s8;
	s9 =	sshrl.u32 s9, $0x3  }
0xc: {  	s9 =	sadd.s32 s9, s7;
	s7 =	sadd.s32 s10, s1;
	s10 =	smax.u32 s11, $0x1  }
0xd: {  	v0 =	vimm.f32 $0.0e+00;
	s11 =	simm.s32 $0x1000;
	s9 =	sadd.s32 $0x7AA00, s9;
	s16 =	sshrl.u32 s7, $0x3  }
.LBB2_1:
0xe: {  	[tilespmem:$0x1000] =	vst v0  }
0xf: {  	[tilespmem:$0x1010] =	vst v0  }
0x10: {  	[tilespmem:$0x1020] =	vst v0  }
0x11: {  	[tilespmem:$0x1030] =	vst v0  }
0x12: {  	[tilespmem:$0x1040] =	vst v0  }
0x13: {  	[tilespmem:$0x1050] =	vst v0  }
0x14: {  	[tilespmem:$0x1060] =	vst v0  }
0x15: {  	[tilespmem:$0x1070] =	vst v0  }
0x16: {  	[tilespmem:$0x1080] =	vst v0  }
0x17: {  	[tilespmem:$0x1090] =	vst v0  }
0x18: {  	[tilespmem:$0x10A0] =	vst v0  }
0x19: {  	[tilespmem:$0x10B0] =	vst v0  }
0x1a: {  	[tilespmem:$0x10C0] =	vst v0  }
0x1b: {  	[tilespmem:$0x10D0] =	vst v0  }
0x1c: {  	[tilespmem:$0x10E0] =	vst v0  }
0x1d: {  	[tilespmem:$0x10F0] =	vst v0  }
0x1e: {  	[tilespmem:$0x1100] =	vst v0  }
0x1f: {  	[tilespmem:$0x1110] =	vst v0  }
0x20: {  	[tilespmem:$0x1120] =	vst v0  }
0x21: {  	[tilespmem:$0x1130] =	vst v0  }
0x22: {  	[tilespmem:$0x1140] =	vst v0  }
0x23: {  	[tilespmem:$0x1150] =	vst v0  }
0x24: {  	[tilespmem:$0x1160] =	vst v0  }
0x25: {  	[tilespmem:$0x1170] =	vst v0  }
0x26: {  	[tilespmem:$0x1180] =	vst v0  }
0x27: {  	[tilespmem:$0x1190] =	vst v0  }
0x28: {  	[tilespmem:$0x11A0] =	vst v0  }
0x29: {  	[tilespmem:$0x11B0] =	vst v0  }
0x2a: {  	[tilespmem:$0x11C0] =	vst v0  }
0x2b: {  	[tilespmem:$0x11D0] =	vst v0  }
0x2c: {  	[tilespmem:$0x11E0] =	vst v0  }
0x2d: {  	[tilespmem:$0x11F0] =	vst v0  }
0x2e: {  	[tilespmem:$0x1200] =	vst v0  }
0x2f: {  	[tilespmem:$0x1210] =	vst v0  }
0x30: {  	[tilespmem:$0x1220] =	vst v0  }
0x31: {  	[tilespmem:$0x1230] =	vst v0  }
0x32: {  	[tilespmem:$0x1240] =	vst v0  }
0x33: {  	[tilespmem:$0x1250] =	vst v0  }
0x34: {  	[tilespmem:$0x1260] =	vst v0  }
0x35: {  	[tilespmem:$0x1270] =	vst v0  }
0x36: {  	[tilespmem:$0x1280] =	vst v0  }
0x37: {  	[tilespmem:$0x1290] =	vst v0  }
0x38: {  	[tilespmem:$0x12A0] =	vst v0  }
0x39: {  	[tilespmem:$0x12B0] =	vst v0  }
0x3a: {  	[tilespmem:$0x12C0] =	vst v0  }
0x3b: {  	[tilespmem:$0x12D0] =	vst v0  }
0x3c: {  	[tilespmem:$0x12E0] =	vst v0  }
0x3d: {  	[tilespmem:$0x12F0] =	vst v0  }
0x3e: {  	[tilespmem:$0x1300] =	vst v0  }
0x3f: {  	[tilespmem:$0x1310] =	vst v0  }
0x40: {  	[tilespmem:$0x1320] =	vst v0  }
0x41: {  	[tilespmem:$0x1330] =	vst v0  }
0x42: {  	[tilespmem:$0x1340] =	vst v0  }
0x43: {  	[tilespmem:$0x1350] =	vst v0  }
0x44: {  	[tilespmem:$0x1360] =	vst v0  }
0x45: {  	[tilespmem:$0x1370] =	vst v0  }
0x46: {  	[tilespmem:$0x1380] =	vst v0  }
0x47: {  	[tilespmem:$0x1390] =	vst v0  }
0x48: {  	[tilespmem:$0x13A0] =	vst v0  }
0x49: {  	[tilespmem:$0x13B0] =	vst v0  }
0x4a: {  	[tilespmem:$0x13C0] =	vst v0  }
0x4b: {  	[tilespmem:$0x13D0] =	vst v0  }
0x4c: {  	[tilespmem:$0x13E0] =	vst v0  }
0x4d: {  	[tilespmem:$0x13F0] =	vst v0;
	s17 =	sadd.s32 $0x0, s7  }
0x4e: {  	[spmem:s17] =	stream.linear.scatter [tilespmem:s11], [sflag:$0x1], $0x400, $0x38;
	[tilespmem:$0x16C00] =	vst v63  }
0x4f: {  	s17 =	simm.s32 $0x1000;
	_ =	swait.ge [sflag:s12], $0x400  }
.LBB2_2:
0x50: {  	s18 =	sshra.s32 s17, $0x2;
	[sflag:s12] =	ssyncset.done $0x0;
	p0 =	sne.s32 s17, $0x4E000  }
.Ltmp0:
0x51: {  	s18 =	sadd.s32 s18, s7;
	[sflag:s12] =	ssyncadd.s32 $0xFFFFFC00;
	(pc) =	sbr.rel @p0 .LBB2_2-.Ltmp0, $3  }
0x52: {  	[spmem:s18] =	stream.linear.scatter [tilespmem:s11], [sflag:$0x1], $0x400, $0x38;
	[tilespmem:$0x16C00] =	vst v63  }
0x53: {  	s17 =	sadd.s32 $0x1000, s17;
	_ =	sdelay $0x1  }
0x54: {  	_ =	swait.ge [sflag:s12], $0x400  }
0x55: {  	[sflag:s12] =	ssyncset.done $0x0  }
0x56: {  	[sflag:s12] =	ssyncadd.s32 $0xFFFFFC00  }
0x57: {  	s17 =	simm.s32 $0x0;
	s18 =	simm.s32 $0x0;
	[bflag:$0x0] =	sbarrier.arrive $0xFFFF  }
.LBB2_4:
0x58: {  	s19 =	sshll.u32 s18, $0xB  }
0x59: {  	s19 =	sadd.s32 s8, s19  }
0x5a: {  	s19 =	sshrl.u32 s19, $0x3  }
0x5b: {  	s20 =	sadd.s32 s5, s19  }
0x5c: {  	[tilespmem:s17], [sflag:$0x1] =	stream.linear.gather [hbm4b:s20+s17], $0x800, $0x38;
	[tilespmem:$0x16C00] =	vst v63  }
0x5d: {  	_ =	swait.ge [sflag:s12], $0x800  }
0x5e: {  	[sflag:s12] =	ssyncset.done $0x0  }
0x5f: {  	s19 =	sadd.s32 s6, s19;
	[sflag:s12] =	ssyncadd.s32 $0xFFFFF800  }
0x60: {  	[tilespmem:s13], [sflag:$0x1] =	stream.linear.gather [hbm4b:s19+s17], $0x800, $0x38;
	[tilespmem:$0x16C00] =	vst v63  }
0x61: {  	_ =	swait.ge [sflag:s12], $0x800  }
0x62: {  	[sflag:s12] =	ssyncset.done $0x0  }
0x63: {  	s30 =	simm.s32 $0x0;
	[sflag:s12] =	ssyncadd.s32 $0xFFFFF800  }
0x64: {  	[tilespmem:s11], [sflag:$0x1] =	stream.indirect.gather [hbm4b:s4+s14], $0x80, s30, s14, $0xb8;
	[tilespmem:$0x16C00] =	vst v63  }
0x65: {  	_ =	swait.ge [sflag:s12], $0x2000  }
0x66: {  	[sflag:s12] =	ssyncset.done $0x0  }
0x67: {  	s31 =	simm.s32 $0x800;
	[sflag:s12] =	ssyncadd.s32 $0xFFFFE000  }
0x68: {  	[spmem:s1] =	stream.indirect.scatter.add.f32 [tilespmem:s11], [sflag:$0x1], $0x80, s31, s14, $0xb8;
	[tilespmem:$0x16C00] =	vst v63  }
0x69: {  	_ =	swait.ge [sflag:s12], $0x2000  }
0x6a: {  	s20 =	simm.s32 $0x400;
	s19 =	simm.s32 $0x200;
	[sflag:s12] =	ssyncset.done $0x0  }
.LBB2_5:
0x6b: {  	s21 =	sshra.s32 s19, $0x2  }
0x6c: {  	[sflag:s12] =	ssyncadd.s32 $0xFFFFE000;
	s19 =	smov.u32 s20;
	s22 =	sadd.s32 $0x200, s20  }
0x6d: {  	[tilespmem:s11], [sflag:$0x1] =	stream.indirect.gather [hbm4b:s4+s14], $0x80, s21, s14, $0xb8;
	[tilespmem:$0x16C00] =	vst v63  }
0x6e: {  	p0 =	sne.s32 s20, $0x1E00;
	_ =	swait.ge [sflag:s12], $0x2000  }
.Ltmp1:
0x6f: {  	[sflag:s12] =	ssyncset.done $0x0;
	(pc) =	sbr.rel @p0 .LBB2_5-.Ltmp1, $4  }
0x70: {  	s20 =	sadd.s32 $0x800, s21;
	[sflag:s12] =	ssyncadd.s32 $0xFFFFE000  }
0x71: {  	[spmem:s1] =	stream.indirect.scatter.add.f32 [tilespmem:s11], [sflag:$0x1], $0x80, s20, s14, $0xb8;
	[tilespmem:$0x16C00] =	vst v63  }
0x72: {  	_ =	swait.ge [sflag:s12], $0x2000  }
0x73: {  	s20 =	smov.u32 s22;
	[sflag:s12] =	ssyncset.done $0x0  }
0x74: {  	s19 =	sshra.s32 s19, $0x2;
	[sflag:s12] =	ssyncadd.s32 $0xFFFFE000  }
0x75: {  	[tilespmem:s11], [sflag:$0x1] =	stream.indirect.gather [hbm4b:s4+s14], $0x80, s19, s14, $0xb8;
	[tilespmem:$0x16C00] =	vst v63  }
0x76: {  	s18 =	sadd.s32 $0x1, s18;
	_ =	swait.ge [sflag:s12], $0x2000  }
0x77: {  	p0 =	sne.s32 s18, $0xA;
	[sflag:s12] =	ssyncset.done $0x0  }
.Ltmp2:
0x78: {  	s19 =	sadd.s32 $0x800, s19;
	[sflag:s12] =	ssyncadd.s32 $0xFFFFE000;
	(pc) =	sbr.rel @p0 .LBB2_4-.Ltmp2, $4  }
0x79: {  	[spmem:s1] =	stream.indirect.scatter.add.f32 [tilespmem:s11], [sflag:$0x1], $0x80, s19, s14, $0xb8;
	[tilespmem:$0x16C00] =	vst v63  }
0x7a: {  	_ =	swait.ge [sflag:s12], $0x2000  }
0x7b: {  	[sflag:s12] =	ssyncset.done $0x0  }
0x7c: {  	[sflag:s12] =	ssyncadd.s32 $0xFFFFE000  }
0x7d: {  	s3 =	sadd.s32 $0x1, s3  }
0x7e: {  	p0 =	sne.s32 s3, s10  }
.Ltmp3:
0x7f: {  	[bflag:$0x0] =	sbarrier.arrive $0xFFFF;
	(pc) =	sbr.rel @p0 .LBB2_1-.Ltmp3, $4  }
0x80: {  	[hbm:s9], [sflag:s15] =	dma.local [spmem:s16], $0x2780  }
0x81: {  	_ =	swait.ge [sflag:s12], $0x2780  }
0x82: {  	[sflag:s12] =	ssyncset.done $0x0  }
0x83: {  	[sflag:s12] =	ssyncadd.s32 $0xFFFFD880  }
0x84: {  	_ =	sfence.sel $0x180000  }
0x85: {  	[bflag:$0x0] =	sbarrier.arrive $0xFFFF  }
0x86: {  	p0 =	sne.s32 s2, $0x0;
	_ =	strace $0x9000004D  }
0x87: {  	s0 =	sadd.s32 @!p0 $0x100000, s0;
	[bflag:$0x2] =	sbarrier.arrive $0xFFFF  }
0x88: {  	[sflag:s0] =	ssyncadd.tile.s32 @!p0 $0x1;
	_ =	shalt  }
.Lfunc_end2:
_tile_overlayer_lowered:
.L_overlay_start_2:
0x89: {  	(tag) =	ssettag $0x2  }
0x8a: {  	s0 =	rddreg [dreg:$0x0];
	s2 =	stileid.u32  }
0x8b: {  	s1 =	rddreg [dreg:$0x1];
	p0 =	sne.s32 s2, $0x0  }
0x8c: {  	s3 =	rddreg [dreg:$0x2];
	[bflag:$0x3] =	sbarrier.arrive $0xFFFF;
	s2 =	simm.s32 @!p0 $0x1C01  }
0x8d: {  	[timem:s3], [sflag:s2] =	dma.local @!p0 [hbm:s0], s1  }
0x8e: {  	s0 =	simm.s32 @!p0 $0x1  }
0x8f: {  	_ =	swait.ge @!p0 [sflag:s0], s1  }
0x90: {  	s1 =	ssub.s32 @!p0 $0x0, s1;
	[sflag:s0] =	ssyncset.done @!p0 $0x0  }
0x91: {  	[sflag:s0] =	ssyncadd.s32 @!p0 s1  }
0x92: {  	[bflag:$0x3] =	sbarrier.arrive $0xFFFF  }
0x93: {  	_ =	shalt  }

// kernel: kernel.19.cloned.1.call-start
scs
__scs_entry_jumppad:
0x0: {  	(pc) =	sbr.rel $0x88, $3  }
0x1: {  	(tag) =	ssettag $0x0;
	lr =	simm.s32 $0x1  }
0x2: {  	[smem:$0x3F96] =	sst lr;
	_ =	strace $0xD0000000  }
0x3: {  	_ = 	snop  }
0x4: {  	_ = 	snop  }
0x5: {  	_ = 	snop  }
0x6: {  	_ = 	snop  }
0x7: {  	_ = 	snop  }
__scs_overlays_trampoline_lowered:
0x8: {  	[smem:$0x3FA5] =	sst s0  }
0x9: {  	[smem:$0x3FA6] =	sst s1  }
0xa: {  	[smem:$0x3FA7] =	sst s2  }
0xb: {  	[smem:$0x3FA8] =	sst s3  }
0xc: {  	[smem:$0x3FA9] =	sst s4  }
0xd: {  	[smem:$0x3FAA] =	sst s5  }
0xe: {  	[smem:$0x3FAB] =	sst s6  }
0xf: {  	[smem:$0x3FAC] =	sst s7  }
0x10: {  	[smem:$0x3FAD] =	sst s8  }
0x11: {  	[smem:$0x3FAE] =	sst s9;
	s0 =	simm.s32 @!p0 $0x0  }
0x12: {  	s1 =	sld [smem:$0x3F94];
	s0 =	simm.s32 @p0 $0x1  }
0x13: {  	[smem:$0x3FAF] =	sst s0;
	s0 =	simm.s32 @!p1 $0x0  }
0x14: {  	s2 =	sld [smem:$0x3F93];
	s0 =	simm.s32 @p1 $0x1  }
0x15: {  	[smem:$0x3FB0] =	sst s0;
	s0 =	simm.s32 @!p2 $0x0  }
0x16: {  	s3 =	sld [smem:$0x3FDB];
	s0 =	simm.s32 @p2 $0x1  }
0x17: {  	s4 =	simm.s32 $0x1BF5;
	[smem:$0x3FB2] =	sst s0  }
0x18: {  	s0 =	sld [smem:$0x3F95];
	_ =	swait.ge [sflag:s4], $0x0  }
0x19: {  	s7 =	sld [smem:$0x3F96]  }
0x1a: {  	s8 =	sadd.s32 $0xFFFFE003, lr  }
0x1b: {  	s9 =	sadd.s32 $0xFFFFFEF7, lr;
	s5 =	simm.s32 $0xFFFFFFFF;
	p2 =	slt.u32 s8, $0xFFFFF086  }
0x1c: {  	p1 =	slt.u32 s9, $0xF7A;
	s5 =	simm.s32 @!p2 $0x0  }
0x1d: {  	s5 =	simm.s32 @p1 $0x1;
	p0 =	seq.s32 s7, s2  }
0x1e: {  	s7 =	smul.u32 @!p0 $0xF7A, s2;
	p2 =	seq.s32 @!p0 s5, $0x0  }
0x1f: {  	s9 =	smul.u32 $0xF7A, s1;
	s8 =	simm.s32 @!p0 $0x1BF5;
	p2 =	por !p2, p0  }
0x20: {  	[sflag:s8] =	ssyncset.s32 @!p0 $0xFFFFF086;
	s6 =	sadd.s32 @!p0 s3, s7;
	s7 =	simm.s32 @!p0 $0x108  }
0x21: {  	s3 =	sadd.s32 s3, s9;
	s6 =	sadd.s32 @!p0 $0x88, s6;
	s7 =	simm.s32 @p2 $0x1082  }
0x22: {  	[simem:s7], [sflag:s8] =	dma.local @!p0 [hbm:s6], $0xF7A  }
0x23: {  	s9 =	sor.u32 $0xD0000000, s2;
	s6 =	simm.s32 $0x108;
	_ =	swait.ge @!p0 [sflag:s8], $0x0  }
0x24: {  	s3 =	sadd.s32 $0x88, s3;
	s6 =	simm.s32 @!p1 $0x1082;
	[sflag:s4] =	ssyncset.s32 $0xFFFFF086  }
0x25: {  	[simem:s6], [sflag:s4] =	dma.local [hbm:s3], $0xF7A  }
0x26: {  	[smem:$0x3F96] =	sst s1;
	(tag) =	ssettag s2;
	_ =	strace s9  }
0x27: {  	s1 =	sld [smem:$0x3FA6]  }
0x28: {  	s2 =	sld [smem:$0x3FA7]  }
0x29: {  	s4 =	sld [smem:$0x3FA9]  }
0x2a: {  	p0 =	seq.s32 s5, $0x0;
	s5 =	sld [smem:$0x3FAA]  }
0x2b: {  	s6 =	sld [smem:$0x3FAB]  }
0x2c: {  	s7 =	sld [smem:$0x3FAC]  }
0x2d: {  	s3 =	simm.s32 $0x108;
	s8 =	sld [smem:$0x3FAD]  }
0x2e: {  	s3 =	simm.s32 @!p0 $0x1082;
	s9 =	sld [smem:$0x3FAE]  }
0x2f: {  	lr =	sadd.s32 s0, s3;
	s0 =	sld [smem:$0x3FA5]  }
0x30: {  	s3 =	sld [smem:$0x3FA8]  }
0x31: {  	[smem:$0x3FB1] =	sst s10  }
0x32: {  	s10 =	sld [smem:$0x3FAF];
	_ =	sdelay $0x3  }
0x33: {  	p0 =	seq.s32 s10, $0x1;
	s10 =	sld [smem:$0x3FB1];
	_ =	sdelay $0x3  }
0x34: {  	[smem:$0x3FB1] =	sst s10  }
0x35: {  	s10 =	sld [smem:$0x3FB0];
	_ =	sdelay $0x3  }
0x36: {  	p1 =	seq.s32 s10, $0x1;
	s10 =	sld [smem:$0x3FB1];
	_ =	sdelay $0x3  }
0x37: {  	[smem:$0x3FB1] =	sst s10  }
0x38: {  	s10 =	sld [smem:$0x3FB2]  }
0x39: {  	_ = 	snop;
	(pc) =	sbr.ind lr, $3  }
0x3a: {  	_ = 	snop  }
0x3b: {  	_ = 	snop  }
0x3c: {  	p2 =	seq.s32 s10, $0x1;
	s10 =	sld [smem:$0x3FB1]  }
0x3d: {  	_ =	shalt  }
0x3e: {  	_ =	shalt  }
0x3f: {  	_ =	shalt  }
0x40: {  	_ =	shalt  }
0x41: {  	_ =	shalt  }
0x42: {  	_ =	shalt  }
0x43: {  	_ =	shalt  }
0x44: {  	_ =	shalt  }
0x45: {  	_ =	shalt  }
0x46: {  	_ =	shalt  }
0x47: {  	_ =	shalt  }
0x48: {  	_ =	shalt  }
0x49: {  	_ =	shalt  }
0x4a: {  	_ =	shalt  }
0x4b: {  	_ =	shalt  }
0x4c: {  	_ =	shalt  }
0x4d: {  	_ =	shalt  }
0x4e: {  	_ =	shalt  }
0x4f: {  	_ =	shalt  }
0x50: {  	_ =	shalt  }
0x51: {  	_ =	shalt  }
0x52: {  	_ =	shalt  }
0x53: {  	_ =	shalt  }
0x54: {  	_ =	shalt  }
0x55: {  	_ =	shalt  }
0x56: {  	_ =	shalt  }
0x57: {  	_ =	shalt  }
0x58: {  	_ =	shalt  }
0x59: {  	_ =	shalt  }
0x5a: {  	_ =	shalt  }
0x5b: {  	_ =	shalt  }
0x5c: {  	_ =	shalt  }
0x5d: {  	_ =	shalt  }
0x5e: {  	_ =	shalt  }
0x5f: {  	_ =	shalt  }
0x60: {  	_ =	shalt  }
0x61: {  	_ =	shalt  }
0x62: {  	_ =	shalt  }
0x63: {  	_ =	shalt  }
0x64: {  	_ =	shalt  }
0x65: {  	_ =	shalt  }
0x66: {  	_ =	shalt  }
0x67: {  	_ =	shalt  }
0x68: {  	_ =	shalt  }
0x69: {  	_ =	shalt  }
0x6a: {  	_ =	shalt  }
0x6b: {  	_ =	shalt  }
0x6c: {  	_ =	shalt  }
0x6d: {  	_ =	shalt  }
0x6e: {  	_ =	shalt  }
0x6f: {  	_ =	shalt  }
0x70: {  	_ =	shalt  }
0x71: {  	_ =	shalt  }
0x72: {  	_ =	shalt  }
0x73: {  	_ =	shalt  }
0x74: {  	_ =	shalt  }
0x75: {  	_ =	shalt  }
0x76: {  	_ =	shalt  }
0x77: {  	_ =	shalt  }
0x78: {  	_ =	shalt  }
0x79: {  	_ =	shalt  }
0x7a: {  	_ =	shalt  }
0x7b: {  	_ =	shalt  }
0x7c: {  	_ =	shalt  }
0x7d: {  	_ =	shalt  }
0x7e: {  	_ =	shalt  }
0x7f: {  	_ =	shalt  }
0x80: {  	_ =	shalt  }
0x81: {  	_ =	shalt  }
0x82: {  	_ =	shalt  }
0x83: {  	_ =	shalt  }
0x84: {  	_ =	shalt  }
0x85: {  	_ =	shalt  }
0x86: {  	_ =	shalt  }
0x87: {  	_ =	shalt  }
.Lfunc_end0:
.L_simem_size_0:
called_computation.3_lowered:
.L_overlay_start_0:
0x88: {  	s2 =	sld [smem:$0x3FD9]  }
0x89: {  	s3 =	sld [smem:$0x3FFE];
	_ =	sdelay $0x1  }
0x8a: {  	s1 =	srdreg.scid  }
0x8b: {  	s0 =	sand.u32 $0x1, s1  }
0x8c: {  	s16 =	sshll.u32 s0, $0xA;
	s2 =	sadd.s32 s3, s2  }
0x8d: {  	s2 =	sadd.s32 s2, s16  }
0x8e: {  	[smem:$0x3FBD] =	sst s2  }
0x8f: {  	_ = 	snop  }
0x90: {  	(tm) =	ssettm $0x1  }
0x91: {  	s17 =	sld [smem:$0x3FFB];
	_ =	sdelay $0x3  }
0x92: {  	_ =	strace s17  }
0x93: {  	s2 =	sld [smem:$0x3FFC];
	_ =	sdelay $0x3  }
0x94: {  	_ =	strace s2  }
0x95: {  	s2 =	sld [smem:$0x3FFD];
	_ =	sdelay $0x3  }
0x96: {  	_ =	strace s2  }
0x97: {  	_ =	strace $0x8FFFFFFF  }
0x98: {  	s18 =	sld [smem:$0x3FDB];
	_ =	sdelay $0x1  }
0x99: {  	s19 =	simm.s32 $_scs_section_size  }
0x9a: {  	s4 =	simm.s32 $_size__tile_overlayer_lowered;
	s5 =	simm.s32 $_tile_overlayer_lowered  }
0x9b: {  	s22 =	simm.s32 $0x1BFF;
	s21 =	sshll.u32 s5, $0x1;
	s2 =	sadd.s32 s19, s18  }
0x9c: {  	s6 =	simm.s32 $0x0;
	s20 =	sshll.u32 s4, $0x1;
	s4 =	sadd.s32 s21, s2  }
0x9d: {  	[timem:s6], [sflag:s22] =	dma.local [hbm:s4], s20  }
0x9e: {  	_ =	swait.ge [sflag:s22], s20  }
0x9f: {  	s3 =	ssub.s32 $0x0, s20;
	[sflag:s22] =	ssyncset.done $0x0  }
0xa0: {  	[sflag:s22] =	ssyncadd.s32 s3;
	_ =	sdelay $0x1  }
0xa1: {  	s23 =	simm.s32 $0x1B8B  }
0xa2: {  	_ =	swait.ge [sflag:s23], $0x1  }
0xa3: {  	[sflag:s23] =	ssyncset.done $0x0  }
0xa4: {  	s25 =	simm.s32 $0x1B8E;
	s24 =	sld [smem:$0x3FFE];
	[sflag:s23] =	ssyncadd.s32 $0xFFFFFFFF  }
0xa5: {  	s26 =	simm.s32 $execute0_lowered;
	[smem:$0x3FD2] =	sst s25  }
0xa6: {  	s4 =	sshll.u32 s26, $0x1;
	_ =	strace $0x8000004F;
	[dreg:$0x1] =	wrdreg $0xFFFFFFFF  }
0xa7: {  	s28 =	simm.s32 $_size_execute0_lowered;
	s2 =	sadd.s32 s2, s4;
	[dreg:$0x0] =	wrdreg $0x0  }
0xa8: {  	s4 =	sshll.u32 s28, $0x1;
	[dreg:$0x2] =	wrdreg s2  }
0xa9: {  	[dreg:$0x3] =	wrdreg s4  }
0xaa: {  	[dreg:$0x4] =	wrdreg $0xC0  }
0xab: {  	_ =	task [dreg:s6], $0x5FFFF  }
0xac: {  	[dreg:$0x1] =	wrdreg $0xFFFFFFFF  }
0xad: {  	[dreg:$0x0] =	wrdreg $0x60  }
0xae: {  	[dreg:$0x2] =	wrdreg s24  }
0xaf: {  	[dreg:$0x3] =	wrdreg $0x30000  }
0xb0: {  	[dreg:$0x4] =	wrdreg $0x9  }
0xb1: {  	_ =	task.clear_ibuf [dreg:s6], $0x5FFFF;
	_ =	strace $0x9000004F  }
0xb2: {  	s29 =	simm.s32 $0x9;
	_ =	strace $0x80000051  }
0xb3: {  	_ =	swait.ge [sflag:s29], $0x1  }
0xb4: {  	[sflag:s29] =	ssyncadd.s32 $0xFFFFFFFF  }
0xb5: {  	_ =	strace $0x90000051  }
0xb6: {  	_ =	sfence  }
0xb7: {  	s30 =	sld [smem:$0x0];
	_ =	sdelay $0x2  }
0xb8: {  	s31 =	sshll.u32 s1, $0xD;
	s1 =	sshrl.u32 s1, $0x2  }
0xb9: {  	s3 =	sand.u32 $0x4000, s31;
	s1 =	sadd.s32 s1, s30  }
0xba: {  	s0 =	sor.u32 s3, s0;
	s1 =	sshll.u32 s1, $0x11  }
0xbb: {  	s0 =	sor.u32 s1, s0  }
0xbc: {  	s0 =	sadd.s32 $0x8F2B, s0  }
0xbd: {  	[sflag:s0] =	ssyncadd.remote.s32 $0x1  }
0xbe: {  	_ =	sfence.sel $0xFFFF  }
0xbf: {  	[dreg:$0x0] =	wrdreg $0xFFFFFFFF;
	(pc) =	sbr.abs _section_cstart, $3  }
0xc0: {  	[dreg:$0x1] =	wrdreg $0xFFFFFFFF  }
0xc1: {  	_ =	task.clear_ibuf [dreg:s6], $0x2FFFF;
	_ =	strace $0x9FFFFFFF  }
0xc2: {  	(tm) =	ssettm $0x7FFFFFFF  }
0xc3: {  	_ =	shalt  }
tec
execute0_lowered:
.L_overlay_start_1:
0x0: {  	(tag) =	ssettag $0x1  }
0x1: {  	s7 =	rddreg [dreg:$0x0]  }
0x2: {  	s1 =	rddreg [dreg:$0x1]  }
0x3: {  	s2 =	srdreg.scid;
	s0 =	rddreg [dreg:$0x2];
	s3 =	simm.s32 $0x0  }
0x4: {  	s12 =	simm.s32 $0x1;
	s13 =	simm.s32 $0x800;
	s8 =	sand.u32 $0x1, s2  }
0x5: {  	s14 =	simm.s32 $0x40;
	s2 =	stileid.u32;
	s6 =	smul.u32 $0x13C000, s8  }
0x6: {  	[smem:$0x7FF] =	sst s3;
	s4 =	sadd.s32 $0x17A00, s7;
	s9 =	smul.u32 $0x13C00, s2  }
0x7: {  	s5 =	sadd.s32 $0x66A00, s7;
	_ =	strace $0x80000050;
	s10 =	smul.u32 $0x4F000, s2  }
0x8: {  	s31 =	ssub.s32 $0x2, s8;
	s8 =	sshll.u32 s8, $0x4;
	s15 =	sshll.u32 s2, $0x6  }
0x9: {  	s11 =	sshrl.u32 s31, $0x1;
	s8 =	sor.u32 s2, s8;
	s15 =	sor.u32 $0x1C01, s15  }
0xa: {  	s9 =	sadd.s32 s9, s6;
	s6 =	sadd.s32 $0x3A00, s7;
	s10 =	sshrl.u32 s10, $0x2  }
0xb: {  	s11 =	ssub.s32 s31, s11;
	s8 =	smul.u32 $0x5000, s8;
	s9 =	sshrl.u32 s9, $0x3  }
0xc: {  	s9 =	sadd.s32 s9, s7;
	s7 =	sadd.s32 s10, s1;
	s10 =	smax.u32 s11, $0x1  }
0xd: {  	v0 =	vimm.f32 $0.0e+00;
	s11 =	simm.s32 $0x1000;
	s9 =	sadd.s32 $0x7AA00, s9;
	s16 =	sshrl.u32 s7, $0x3  }
.LBB2_1:
0xe: {  	[tilespmem:$0x1000] =	vst v0  }
0xf: {  	[tilespmem:$0x1010] =	vst v0  }
0x10: {  	[tilespmem:$0x1020] =	vst v0  }
0x11: {  	[tilespmem:$0x1030] =	vst v0  }
0x12: {  	[tilespmem:$0x1040] =	vst v0  }
0x13: {  	[tilespmem:$0x1050] =	vst v0  }
0x14: {  	[tilespmem:$0x1060] =	vst v0  }
0x15: {  	[tilespmem:$0x1070] =	vst v0  }
0x16: {  	[tilespmem:$0x1080] =	vst v0  }
0x17: {  	[tilespmem:$0x1090] =	vst v0  }
0x18: {  	[tilespmem:$0x10A0] =	vst v0  }
0x19: {  	[tilespmem:$0x10B0] =	vst v0  }
0x1a: {  	[tilespmem:$0x10C0] =	vst v0  }
0x1b: {  	[tilespmem:$0x10D0] =	vst v0  }
0x1c: {  	[tilespmem:$0x10E0] =	vst v0  }
0x1d: {  	[tilespmem:$0x10F0] =	vst v0  }
0x1e: {  	[tilespmem:$0x1100] =	vst v0  }
0x1f: {  	[tilespmem:$0x1110] =	vst v0  }
0x20: {  	[tilespmem:$0x1120] =	vst v0  }
0x21: {  	[tilespmem:$0x1130] =	vst v0  }
0x22: {  	[tilespmem:$0x1140] =	vst v0  }
0x23: {  	[tilespmem:$0x1150] =	vst v0  }
0x24: {  	[tilespmem:$0x1160] =	vst v0  }
0x25: {  	[tilespmem:$0x1170] =	vst v0  }
0x26: {  	[tilespmem:$0x1180] =	vst v0  }
0x27: {  	[tilespmem:$0x1190] =	vst v0  }
0x28: {  	[tilespmem:$0x11A0] =	vst v0  }
0x29: {  	[tilespmem:$0x11B0] =	vst v0  }
0x2a: {  	[tilespmem:$0x11C0] =	vst v0  }
0x2b: {  	[tilespmem:$0x11D0] =	vst v0  }
0x2c: {  	[tilespmem:$0x11E0] =	vst v0  }
0x2d: {  	[tilespmem:$0x11F0] =	vst v0  }
0x2e: {  	[tilespmem:$0x1200] =	vst v0  }
0x2f: {  	[tilespmem:$0x1210] =	vst v0  }
0x30: {  	[tilespmem:$0x1220] =	vst v0  }
0x31: {  	[tilespmem:$0x1230] =	vst v0  }
0x32: {  	[tilespmem:$0x1240] =	vst v0  }
0x33: {  	[tilespmem:$0x1250] =	vst v0  }
0x34: {  	[tilespmem:$0x1260] =	vst v0  }
0x35: {  	[tilespmem:$0x1270] =	vst v0  }
0x36: {  	[tilespmem:$0x1280] =	vst v0  }
0x37: {  	[tilespmem:$0x1290] =	vst v0  }
0x38: {  	[tilespmem:$0x12A0] =	vst v0  }
0x39: {  	[tilespmem:$0x12B0] =	vst v0  }
0x3a: {  	[tilespmem:$0x12C0] =	vst v0  }
0x3b: {  	[tilespmem:$0x12D0] =	vst v0  }
0x3c: {  	[tilespmem:$0x12E0] =	vst v0  }
0x3d: {  	[tilespmem:$0x12F0] =	vst v0  }
0x3e: {  	[tilespmem:$0x1300] =	vst v0  }
0x3f: {  	[tilespmem:$0x1310] =	vst v0  }
0x40: {  	[tilespmem:$0x1320] =	vst v0  }
0x41: {  	[tilespmem:$0x1330] =	vst v0  }
0x42: {  	[tilespmem:$0x1340] =	vst v0  }
0x43: {  	[tilespmem:$0x1350] =	vst v0  }
0x44: {  	[tilespmem:$0x1360] =	vst v0  }
0x45: {  	[tilespmem:$0x1370] =	vst v0  }
0x46: {  	[tilespmem:$0x1380] =	vst v0  }
0x47: {  	[tilespmem:$0x1390] =	vst v0  }
0x48: {  	[tilespmem:$0x13A0] =	vst v0  }
0x49: {  	[tilespmem:$0x13B0] =	vst v0  }
0x4a: {  	[tilespmem:$0x13C0] =	vst v0  }
0x4b: {  	[tilespmem:$0x13D0] =	vst v0  }
0x4c: {  	[tilespmem:$0x13E0] =	vst v0  }
0x4d: {  	[tilespmem:$0x13F0] =	vst v0;
	s17 =	sadd.s32 $0x0, s7  }
0x4e: {  	[spmem:s17] =	stream.linear.scatter [tilespmem:s11], [sflag:$0x1], $0x400, $0x38;
	[tilespmem:$0x16C00] =	vst v63  }
0x4f: {  	s17 =	simm.s32 $0x1000;
	_ =	swait.ge [sflag:s12], $0x400  }
.LBB2_2:
0x50: {  	s18 =	sshra.s32 s17, $0x2;
	[sflag:s12] =	ssyncset.done $0x0;
	p0 =	sne.s32 s17, $0x4E000  }
.Ltmp0:
0x51: {  	s18 =	sadd.s32 s18, s7;
	[sflag:s12] =	ssyncadd.s32 $0xFFFFFC00;
	(pc) =	sbr.rel @p0 .LBB2_2-.Ltmp0, $3  }
0x52: {  	[spmem:s18] =	stream.linear.scatter [tilespmem:s11], [sflag:$0x1], $0x400, $0x38;
	[tilespmem:$0x16C00] =	vst v63  }
0x53: {  	s17 =	sadd.s32 $0x1000, s17;
	_ =	sdelay $0x1  }
0x54: {  	_ =	swait.ge [sflag:s12], $0x400  }
0x55: {  	[sflag:s12] =	ssyncset.done $0x0  }
0x56: {  	[sflag:s12] =	ssyncadd.s32 $0xFFFFFC00  }
0x57: {  	s17 =	simm.s32 $0x0;
	s18 =	simm.s32 $0x0;
	[bflag:$0x0] =	sbarrier.arrive $0xFFFF  }
.LBB2_4:
0x58: {  	s19 =	sshll.u32 s18, $0xB  }
0x59: {  	s19 =	sadd.s32 s8, s19  }
0x5a: {  	s19 =	sshrl.u32 s19, $0x3  }
0x5b: {  	s20 =	sadd.s32 s5, s19  }
0x5c: {  	[tilespmem:s17], [sflag:$0x1] =	stream.linear.gather [hbm4b:s20+s17], $0x800, $0x38;
	[tilespmem:$0x16C00] =	vst v63  }
0x5d: {  	_ =	swait.ge [sflag:s12], $0x800  }
0x5e: {  	[sflag:s12] =	ssyncset.done $0x0  }
0x5f: {  	s19 =	sadd.s32 s6, s19;
	[sflag:s12] =	ssyncadd.s32 $0xFFFFF800  }
0x60: {  	[tilespmem:s13], [sflag:$0x1] =	stream.linear.gather [hbm4b:s19+s17], $0x800, $0x38;
	[tilespmem:$0x16C00] =	vst v63  }
0x61: {  	_ =	swait.ge [sflag:s12], $0x800  }
0x62: {  	[sflag:s12] =	ssyncset.done $0x0  }
0x63: {  	s30 =	simm.s32 $0x0;
	[sflag:s12] =	ssyncadd.s32 $0xFFFFF800  }
0x64: {  	[tilespmem:s11], [sflag:$0x1] =	stream.indirect.gather [hbm4b:s4+s14], $0x80, s30, s14, $0xb8;
	[tilespmem:$0x16C00] =	vst v63  }
0x65: {  	_ =	swait.ge [sflag:s12], $0x2000  }
0x66: {  	[sflag:s12] =	ssyncset.done $0x0  }
0x67: {  	s31 =	simm.s32 $0x800;
	[sflag:s12] =	ssyncadd.s32 $0xFFFFE000  }
0x68: {  	[spmem:s1] =	stream.indirect.scatter.add.f32 [tilespmem:s11], [sflag:$0x1], $0x80, s31, s14, $0xb8;
	[tilespmem:$0x16C00] =	vst v63  }
0x69: {  	_ =	swait.ge [sflag:s12], $0x2000  }
0x6a: {  	s20 =	simm.s32 $0x400;
	s19 =	simm.s32 $0x200;
	[sflag:s12] =	ssyncset.done $0x0  }
.LBB2_5:
0x6b: {  	s21 =	sshra.s32 s19, $0x2  }
0x6c: {  	[sflag:s12] =	ssyncadd.s32 $0xFFFFE000;
	s19 =	smov.u32 s20;
	s22 =	sadd.s32 $0x200, s20  }
0x6d: {  	[tilespmem:s11], [sflag:$0x1] =	stream.indirect.gather [hbm4b:s4+s14], $0x80, s21, s14, $0xb8;
	[tilespmem:$0x16C00] =	vst v63  }
0x6e: {  	p0 =	sne.s32 s20, $0x1E00;
	_ =	swait.ge [sflag:s12], $0x2000  }
.Ltmp1:
0x6f: {  	[sflag:s12] =	ssyncset.done $0x0;
	(pc) =	sbr.rel @p0 .LBB2_5-.Ltmp1, $4  }
0x70: {  	s20 =	sadd.s32 $0x800, s21;
	[sflag:s12] =	ssyncadd.s32 $0xFFFFE000  }
0x71: {  	[spmem:s1] =	stream.indirect.scatter.add.f32 [tilespmem:s11], [sflag:$0x1], $0x80, s20, s14, $0xb8;
	[tilespmem:$0x16C00] =	vst v63  }
0x72: {  	_ =	swait.ge [sflag:s12], $0x2000  }
0x73: {  	s20 =	smov.u32 s22;
	[sflag:s12] =	ssyncset.done $0x0  }
0x74: {  	s19 =	sshra.s32 s19, $0x2;
	[sflag:s12] =	ssyncadd.s32 $0xFFFFE000  }
0x75: {  	[tilespmem:s11], [sflag:$0x1] =	stream.indirect.gather [hbm4b:s4+s14], $0x80, s19, s14, $0xb8;
	[tilespmem:$0x16C00] =	vst v63  }
0x76: {  	s18 =	sadd.s32 $0x1, s18;
	_ =	swait.ge [sflag:s12], $0x2000  }
0x77: {  	p0 =	sne.s32 s18, $0xA;
	[sflag:s12] =	ssyncset.done $0x0  }
.Ltmp2:
0x78: {  	s19 =	sadd.s32 $0x800, s19;
	[sflag:s12] =	ssyncadd.s32 $0xFFFFE000;
	(pc) =	sbr.rel @p0 .LBB2_4-.Ltmp2, $4  }
0x79: {  	[spmem:s1] =	stream.indirect.scatter.add.f32 [tilespmem:s11], [sflag:$0x1], $0x80, s19, s14, $0xb8;
	[tilespmem:$0x16C00] =	vst v63  }
0x7a: {  	_ =	swait.ge [sflag:s12], $0x2000  }
0x7b: {  	[sflag:s12] =	ssyncset.done $0x0  }
0x7c: {  	[sflag:s12] =	ssyncadd.s32 $0xFFFFE000  }
0x7d: {  	s3 =	sadd.s32 $0x1, s3  }
0x7e: {  	p0 =	sne.s32 s3, s10  }
.Ltmp3:
0x7f: {  	[bflag:$0x0] =	sbarrier.arrive $0xFFFF;
	(pc) =	sbr.rel @p0 .LBB2_1-.Ltmp3, $4  }
0x80: {  	[hbm:s9], [sflag:s15] =	dma.local [spmem:s16], $0x2780  }
0x81: {  	_ =	swait.ge [sflag:s12], $0x2780  }
0x82: {  	[sflag:s12] =	ssyncset.done $0x0  }
0x83: {  	[sflag:s12] =	ssyncadd.s32 $0xFFFFD880  }
0x84: {  	_ =	sfence.sel $0x180000  }
0x85: {  	[bflag:$0x0] =	sbarrier.arrive $0xFFFF  }
0x86: {  	p0 =	sne.s32 s2, $0x0;
	_ =	strace $0x90000050  }
0x87: {  	s0 =	sadd.s32 @!p0 $0x100000, s0;
	[bflag:$0x2] =	sbarrier.arrive $0xFFFF  }
0x88: {  	[sflag:s0] =	ssyncadd.tile.s32 @!p0 $0x1;
	_ =	shalt  }
.Lfunc_end2:
_tile_overlayer_lowered:
.L_overlay_start_2:
0x89: {  	(tag) =	ssettag $0x2  }
0x8a: {  	s0 =	rddreg [dreg:$0x0];
	s2 =	stileid.u32  }
0x8b: {  	s1 =	rddreg [dreg:$0x1];
	p0 =	sne.s32 s2, $0x0  }
0x8c: {  	s3 =	rddreg [dreg:$0x2];
	[bflag:$0x3] =	sbarrier.arrive $0xFFFF;
	s2 =	simm.s32 @!p0 $0x1C01  }
0x8d: {  	[timem:s3], [sflag:s2] =	dma.local @!p0 [hbm:s0], s1  }
0x8e: {  	s0 =	simm.s32 @!p0 $0x1  }
0x8f: {  	_ =	swait.ge @!p0 [sflag:s0], s1  }
0x90: {  	s1 =	ssub.s32 @!p0 $0x0, s1;
	[sflag:s0] =	ssyncset.done @!p0 $0x0  }
0x91: {  	[sflag:s0] =	ssyncadd.s32 @!p0 s1  }
0x92: {  	[bflag:$0x3] =	sbarrier.arrive $0xFFFF  }
0x93: {  	_ =	shalt  }

</sc_bundles>
